<compile_context>
chip_gen: v7x
topology: tpu7x:2x2x1
jax: 0.10.2.dev20260603
libtpu: 0.0.44.dev20260713+nightly
codegen_flags: <defaults>
</compile_context>

<pallas_src>
import functools

import jax
import jax.numpy as jnp
from jax import lax
from jax.experimental import pallas as pl
from jax.experimental.pallas import tpu as pltpu
from jax.experimental.pallas import tpu_sc as plsc

N = 10000
NP = 10240
E = 320000
CH = 128
NCHT = 80
NB = 40
DH = 64
NW = 32
EP = NW * NCHT * CH
ROWS_PER_TILE = NP // 16


def _sc_mesh():
    return plsc.VectorSubcoreMesh(core_axis_name="c", subcore_axis_name="s")


def _make_deg():
    @functools.partial(
        pl.kernel,
        out_type=(
            jax.ShapeDtypeStruct((NP,), jnp.float32),
            jax.ShapeDtypeStruct((NP,), jnp.float32),
        ),
        mesh=_sc_mesh(),
        scratch_types=[
            pltpu.VMEM((NCHT, CH), jnp.int32),
            pltpu.VMEM((CH,), jnp.float32),
            pltpu.VMEM((ROWS_PER_TILE,), jnp.float32),
            pltpu.VMEM_SHARED((NP,), jnp.float32),
        ],
    )
    def deg_kernel(dst2d, out0, out1, didx, ones_v, zbuf, acc):
        c = lax.axis_index("c")
        s = lax.axis_index("s")
        wid = s * 2 + c
        base = s * ROWS_PER_TILE

        pltpu.sync_copy(dst2d.at[pl.ds(wid * NCHT, NCHT)], didx)
        for i in range(CH // 16):
            ones_v[pl.ds(i * 16, 16)] = jnp.ones((16,), jnp.float32)

        def zfill(i, carry):
            zbuf[pl.ds(i * 16, 16)] = jnp.zeros((16,), jnp.float32)
            return carry

        lax.fori_loop(0, ROWS_PER_TILE // 16, zfill, 0)
        pltpu.sync_copy(zbuf, acc.at[pl.ds(base, ROWS_PER_TILE)])
        plsc.subcore_barrier()

        def body(j, carry):
            pltpu.sync_copy(ones_v, acc.at[didx.at[j]], add=True)
            return carry

        lax.fori_loop(0, NCHT, body, 0)
        plsc.subcore_barrier()

        @pl.when(c == 0)
        def _():
            pltpu.sync_copy(acc.at[pl.ds(base, ROWS_PER_TILE)],
                            out0.at[pl.ds(base, ROWS_PER_TILE)])

        @pl.when(c == 1)
        def _():
            pltpu.sync_copy(acc.at[pl.ds(base, ROWS_PER_TILE)],
                            out1.at[pl.ds(base, ROWS_PER_TILE)])

    return deg_kernel


def _make_edge_scatter(num_tables):
    @functools.partial(
        pl.kernel,
        out_type=tuple(jax.ShapeDtypeStruct((NP, DH), jnp.float32)
                       for _ in range(2 * num_tables)),
        mesh=_sc_mesh(),
        scratch_types=[
            pltpu.VMEM((NB, CH), jnp.int32),
            pltpu.VMEM((NB, CH), jnp.int32),
            pltpu.VMEM((CH, DH), jnp.float32),
            pltpu.VMEM((CH, DH), jnp.float32),
            pltpu.VMEM_SHARED((NP, DH), jnp.float32),
            pltpu.VMEM_SHARED((NP, DH), jnp.float32),
            pltpu.SemaphoreType.DMA,
            pltpu.SemaphoreType.DMA,
            pltpu.SemaphoreType.DMA,
            pltpu.SemaphoreType.DMA,
        ],
        compiler_params=pltpu.CompilerParams(use_tc_tiling_on_sc=False),
    )
    def edge_kernel(*refs):
        tables = refs[:num_tables]
        src2d = refs[num_tables]
        dst2d = refs[num_tables + 1]
        outs = refs[num_tables + 2:num_tables + 2 + 2 * num_tables]
        (sidx, didx, rows0, rows1, acc, table_sh, sem0, sem1, tse0, tse1) = \
            refs[num_tables + 2 + 2 * num_tables:]
        c = lax.axis_index("c")
        s = lax.axis_index("s")
        wid = s * 2 + c
        base = s * ROWS_PER_TILE

        def gather(j, rbuf, sem):
            pltpu.async_copy(table_sh.at[sidx.at[j]], rbuf, sem)

        def wait(rbuf, sem):
            pltpu.make_async_copy(table_sh.at[sidx.at[0]], rbuf, sem).wait()

        def scat(j, rbuf):
            pltpu.sync_copy(rbuf, acc.at[didx.at[j]], add=True)

        def scat_async(j, rbuf, tsem):
            pltpu.async_copy(rbuf, acc.at[didx.at[j]], tsem, add=True)

        def swait(rbuf, tsem):
            pltpu.make_async_copy(rbuf, acc.at[didx.at[0]], tsem).wait()

        def block(blk, carry):
            ch0 = wid * NCHT + blk * NB
            pltpu.sync_copy(src2d.at[pl.ds(ch0, NB)], sidx)
            pltpu.sync_copy(dst2d.at[pl.ds(ch0, NB)], didx)
            gather(0, rows0, sem0)

            def body(i, carry2):
                j = i * 2
                wait(rows0, sem0)
                gather(j + 1, rows1, sem1)
                scat_async(j, rows0, tse0)
                wait(rows1, sem1)
                swait(rows0, tse0)
                gather(j + 2, rows0, sem0)
                scat_async(j + 1, rows1, tse1)
                swait(rows1, tse1)
                return carry2

            lax.fori_loop(0, (NB - 2) // 2, body, 0)
            wait(rows0, sem0)
            gather(NB - 1, rows1, sem1)
            scat_async(NB - 2, rows0, tse0)
            wait(rows1, sem1)
            swait(rows0, tse0)
            scat(NB - 1, rows1)
            return carry

        for h in range(num_tables):
            table = tables[h]
            out0, out1 = outs[2 * h], outs[2 * h + 1]
            pltpu.sync_copy(table.at[pl.ds(base, ROWS_PER_TILE)],
                            acc.at[pl.ds(base, ROWS_PER_TILE)])
            pltpu.sync_copy(table.at[pl.ds(base, ROWS_PER_TILE)],
                            table_sh.at[pl.ds(base, ROWS_PER_TILE)])
            plsc.subcore_barrier()
            lax.fori_loop(0, NCHT // NB, block, 0)
            plsc.subcore_barrier()

            @pl.when(c == 0)
            def _():
                pltpu.sync_copy(acc.at[pl.ds(base, ROWS_PER_TILE)],
                                out0.at[pl.ds(base, ROWS_PER_TILE)])

            @pl.when(c == 1)
            def _():
                pltpu.sync_copy(acc.at[pl.ds(base, ROWS_PER_TILE)],
                                out1.at[pl.ds(base, ROWS_PER_TILE)])

    return edge_kernel


_make_deg = functools.cache(_make_deg)
_make_edge_scatter = functools.cache(_make_edge_scatter)

_BLK = 512


def _tc1(x_pad, W1, d0, d1):
    def body(x_ref, w_ref, d0_ref, d1_ref, ha_ref, hb_ref, dinv_ref):
        dsum = d0_ref[...] + d1_ref[...] + 1.0
        dinv = lax.rsqrt(dsum)
        h = jnp.dot(x_ref[...], w_ref[...], preferred_element_type=jnp.float32)
        h = h * dinv
        ha_ref[...] = h[:, :64]
        hb_ref[...] = h[:, 64:]
        dinv_ref[...] = dinv

    return pl.pallas_call(
        body,
        grid=(NP // _BLK,),
        in_specs=[
            pl.BlockSpec((_BLK, 128), lambda i: (i, 0)),
            pl.BlockSpec((128, 128), lambda i: (0, 0)),
            pl.BlockSpec((_BLK, 1), lambda i: (i, 0)),
            pl.BlockSpec((_BLK, 1), lambda i: (i, 0)),
        ],
        out_specs=[
            pl.BlockSpec((_BLK, 64), lambda i: (i, 0)),
            pl.BlockSpec((_BLK, 64), lambda i: (i, 0)),
            pl.BlockSpec((_BLK, 1), lambda i: (i, 0)),
        ],
        out_shape=[
            jax.ShapeDtypeStruct((NP, 64), jnp.float32),
            jax.ShapeDtypeStruct((NP, 64), jnp.float32),
            jax.ShapeDtypeStruct((NP, 1), jnp.float32),
        ],
    )(x_pad, W1, d0, d1)


def _tc2(pa0, pa1, pb0, pb1, ha, hb, dinv, b1, W2):
    def body(pa0_ref, pa1_ref, pb0_ref, pb1_ref, ha_ref, hb_ref,
             dinv_ref, b1_ref, w2_ref, out_ref):
        dinv = dinv_ref[...]
        ta = dinv * (pa0_ref[...] + pa1_ref[...] - ha_ref[...]) + b1_ref[..., :64]
        tb = dinv * (pb0_ref[...] + pb1_ref[...] - hb_ref[...]) + b1_ref[..., 64:]
        h = jnp.maximum(jnp.concatenate([ta, tb], axis=1), 0.0)
        out_ref[...] = dinv * jnp.dot(
            h, w2_ref[...], preferred_element_type=jnp.float32)

    half = pl.BlockSpec((_BLK, 64), lambda i: (i, 0))
    return pl.pallas_call(
        body,
        grid=(NP // _BLK,),
        in_specs=[
            half, half, half, half, half, half,
            pl.BlockSpec((_BLK, 1), lambda i: (i, 0)),
            pl.BlockSpec((1, 128), lambda i: (0, 0)),
            pl.BlockSpec((128, 64), lambda i: (0, 0)),
        ],
        out_specs=pl.BlockSpec((_BLK, 64), lambda i: (i, 0)),
        out_shape=jax.ShapeDtypeStruct((NP, 64), jnp.float32),
    )(pa0, pa1, pb0, pb1, ha, hb, dinv, b1, W2)


def _tc3(q0, q1, hp, dinv, b2):
    blk = 400

    def body(q0_ref, q1_ref, hp_ref, dinv_ref, b2_ref, out_ref):
        out_ref[...] = dinv_ref[...] * (
            q0_ref[...] + q1_ref[...] - hp_ref[...]) + b2_ref[...]

    return pl.pallas_call(
        body,
        grid=(N // blk,),
        in_specs=[
            pl.BlockSpec((blk, 64), lambda i: (i, 0)),
            pl.BlockSpec((blk, 64), lambda i: (i, 0)),
            pl.BlockSpec((blk, 64), lambda i: (i, 0)),
            pl.BlockSpec((blk, 1), lambda i: (i, 0)),
            pl.BlockSpec((1, 64), lambda i: (0, 0)),
        ],
        out_specs=pl.BlockSpec((blk, 64), lambda i: (i, 0)),
        out_shape=jax.ShapeDtypeStruct((N, 64), jnp.float32),
    )(q0, q1, hp, dinv, b2)


def kernel(x, edge_index, W1, b1, W2, b2):
    pad_e = EP - E
    pad_idx = jnp.full((pad_e,), NP - 1, dtype=jnp.int32)
    src2d = jnp.concatenate([edge_index[0], pad_idx]).reshape(NW * NCHT, CH)
    dst2d = jnp.concatenate([edge_index[1], pad_idx]).reshape(NW * NCHT, CH)
    x_pad = jnp.pad(x, ((0, NP - N), (0, 0)))

    d0, d1 = _make_deg()(dst2d)
    h1a, h1b, dinv = _tc1(x_pad, W1, d0.reshape(NP, 1), d1.reshape(NP, 1))
    pa0, pa1, pb0, pb1 = _make_edge_scatter(2)(h1a, h1b, src2d, dst2d)
    h2p = _tc2(pa0, pa1, pb0, pb1, h1a, h1b, dinv, b1.reshape(1, 128), W2)
    q0, q1 = _make_edge_scatter(1)(h2p, src2d, dst2d)
    return _tc3(q0, q1, h2p, dinv, b2.reshape(1, 64))

# --- scband reference (transcript-rebuilt; emitter-appended) ---
"""Pipeline reference for scband-net-70703751626946 (READ-ONLY COPY).

The authoritative reference and input builder live on the scoring server;
editing this copy changes nothing except your own understanding.
"""

import jax, jax.numpy as jnp
import numpy as np

N = 10000
E = 320000
D_IN = 128
D_HID = 128
D_OUT = 64


def setup_inputs(seed: int = 0) -> dict:
    key = jax.random.key(seed)
    ks = jax.random.split(key, 6)
    x = jax.random.normal(ks[0], (N, D_IN), dtype=jnp.float32)
    edge_index = jax.random.randint(ks[1], (2, E), 0, N, dtype=jnp.int32)
    W1 = jax.random.normal(ks[2], (D_IN, D_HID), dtype=jnp.float32) * (1.0 / np.sqrt(D_IN))
    b1 = jnp.zeros((D_HID,), dtype=jnp.float32)
    W2 = jax.random.normal(ks[3], (D_HID, D_OUT), dtype=jnp.float32) * (1.0 / np.sqrt(D_HID))
    b2 = jnp.zeros((D_OUT,), dtype=jnp.float32)
    return {"x": x, "edge_index": edge_index, "W1": W1, "b1": b1, "W2": W2, "b2": b2}


def gcn_layer(x, edge_index, W, b):
    # PyG GCNConv semantics: add self-loops, symmetric normalization D^{-1/2}(A+I)D^{-1/2},
    # linear transform then aggregate, plus bias.
    n = x.shape[0]
    loop = jnp.arange(n, dtype=edge_index.dtype)
    src = jnp.concatenate([edge_index[0], loop])
    dst = jnp.concatenate([edge_index[1], loop])
    deg = jnp.zeros((n,), dtype=x.dtype).at[dst].add(1.0)
    dinv = jnp.where(deg > 0, 1.0 / jnp.sqrt(deg), 0.0)
    norm = dinv[src] * dinv[dst]
    h = x @ W
    msg = h[src] * norm[:, None]
    out = jnp.zeros((n, W.shape[1]), dtype=x.dtype).at[dst].add(msg)
    return out + b


def reference(x, edge_index, W1, b1, W2, b2):
    # encode(): conv1 -> relu -> conv2
    h = gcn_layer(x, edge_index, W1, b1)
    h = jax.nn.relu(h)
    z = gcn_layer(h, edge_index, W2, b2)
    return z

if __name__ == "__main__":
    import jax
    _d = setup_inputs()
    print(jax.jit(kernel)(*tuple(_d.values())))

</pallas_src>

<mosaic_0001>
#map = affine_map<(d0, d1) -> (0, 0)>
module attributes {stable_mosaic.version = 14 : i64} {
  func.func @edge_kernel(%arg0: i32, %arg1: i32, %arg2: memref<10240x64xf32, #tpu.memory_space<hbm>>, %arg3: memref<2560x128xi32, #tpu.memory_space<hbm>>, %arg4: memref<2560x128xi32, #tpu.memory_space<hbm>>, %arg5: memref<10240x64xf32, #tpu.memory_space<hbm>>, %arg6: memref<10240x64xf32, #tpu.memory_space<hbm>>, %arg7: memref<40x128xi32, #tpu.memory_space<vmem>>, %arg8: memref<40x128xi32, #tpu.memory_space<vmem>>, %arg9: memref<128x64xf32, #tpu.memory_space<vmem>>, %arg10: memref<128x64xf32, #tpu.memory_space<vmem>>, %arg11: memref<10240x64xf32, #tpu.memory_space<vmem_shared>>, %arg12: memref<10240x64xf32, #tpu.memory_space<vmem_shared>>, %arg13: memref<!tpu.dma_semaphore, #tpu.memory_space<semaphore_mem>>, %arg14: memref<!tpu.dma_semaphore, #tpu.memory_space<semaphore_mem>>, %arg15: memref<!tpu.dma_semaphore, #tpu.memory_space<semaphore_mem>>, %arg16: memref<!tpu.dma_semaphore, #tpu.memory_space<semaphore_mem>>) attributes {dimension_semantics = [#tpu.dimension_semantics<core_parallel>, #tpu.dimension_semantics<subcore_parallel>], iteration_bounds = array<i64: 2, 16>, scalar_prefetch = 0 : i64, scratch_operands = 10 : i64, tpu.core_type = #tpu.core_type<sc_vector_subcore>, window_params = [{transform_indices = #map}, {transform_indices = #map}, {transform_indices = #map}, {transform_indices = #map}, {transform_indices = #map}]} {
    %mul3A = arith.constant 2 : i32
    %mul3A_0 = arith.muli %arg1, %mul3A : i32
    %add3A = arith.addi %mul3A_0, %arg0 : i32
    %mul3A_1 = arith.constant 640 : i32
    %mul3A_2 = arith.muli %arg1, %mul3A_1 : i32
    "tpu.region"() ({
      %run_scoped3A = tpu.sem_alloc : memref<!tpu.dma_semaphore, #tpu.memory_space<semaphore_mem>>
      %dma_start3A = arith.constant 0 : i32
      %dma_start3A_16 = tpu.memref_slice %arg11[%mul3A_2, %dma_start3A] : memref<10240x64xf32, #tpu.memory_space<vmem_shared>> -> memref<640x64xf32, #tpu.memory_space<vmem_shared>>
      %dma_start3A_17 = arith.constant 0 : i32
      %dma_start3A_18 = tpu.memref_slice %arg2[%mul3A_2, %dma_start3A_17] : memref<10240x64xf32, #tpu.memory_space<hbm>> -> memref<640x64xf32, #tpu.memory_space<hbm>>
      tpu.enqueue_dma source(%dma_start3A_18 : memref<640x64xf32, #tpu.memory_space<hbm>>) target(%dma_start3A_16 : memref<640x64xf32, #tpu.memory_space<vmem_shared>>) target_semaphore(%run_scoped3A : memref<!tpu.dma_semaphore, #tpu.memory_space<semaphore_mem>>)
      %dma_wait3A = arith.constant 0 : i32
      %dma_wait3A_19 = tpu.memref_slice %arg11[%mul3A_2, %dma_wait3A] : memref<10240x64xf32, #tpu.memory_space<vmem_shared>> -> memref<640x64xf32, #tpu.memory_space<vmem_shared>>
      %dma_wait3A_20 = arith.constant 0 : i32
      %dma_wait3A_21 = tpu.memref_slice %arg2[%mul3A_2, %dma_wait3A_20] : memref<10240x64xf32, #tpu.memory_space<hbm>> -> memref<640x64xf32, #tpu.memory_space<hbm>>
      tpu.wait_dma2 semaphore(%run_scoped3A : memref<!tpu.dma_semaphore, #tpu.memory_space<semaphore_mem>>) src(%dma_wait3A_21 : memref<640x64xf32, #tpu.memory_space<hbm>>) dst(%dma_wait3A_19 : memref<640x64xf32, #tpu.memory_space<vmem_shared>>)
      tpu.yield
    }) : () -> ()
    "tpu.region"() ({
      %run_scoped3A = tpu.sem_alloc : memref<!tpu.dma_semaphore, #tpu.memory_space<semaphore_mem>>
      %dma_start3A = arith.constant 0 : i32
      %dma_start3A_16 = tpu.memref_slice %arg12[%mul3A_2, %dma_start3A] : memref<10240x64xf32, #tpu.memory_space<vmem_shared>> -> memref<640x64xf32, #tpu.memory_space<vmem_shared>>
      %dma_start3A_17 = arith.constant 0 : i32
      %dma_start3A_18 = tpu.memref_slice %arg2[%mul3A_2, %dma_start3A_17] : memref<10240x64xf32, #tpu.memory_space<hbm>> -> memref<640x64xf32, #tpu.memory_space<hbm>>
      tpu.enqueue_dma source(%dma_start3A_18 : memref<640x64xf32, #tpu.memory_space<hbm>>) target(%dma_start3A_16 : memref<640x64xf32, #tpu.memory_space<vmem_shared>>) target_semaphore(%run_scoped3A : memref<!tpu.dma_semaphore, #tpu.memory_space<semaphore_mem>>)
      %dma_wait3A = arith.constant 0 : i32
      %dma_wait3A_19 = tpu.memref_slice %arg12[%mul3A_2, %dma_wait3A] : memref<10240x64xf32, #tpu.memory_space<vmem_shared>> -> memref<640x64xf32, #tpu.memory_space<vmem_shared>>
      %dma_wait3A_20 = arith.constant 0 : i32
      %dma_wait3A_21 = tpu.memref_slice %arg2[%mul3A_2, %dma_wait3A_20] : memref<10240x64xf32, #tpu.memory_space<hbm>> -> memref<640x64xf32, #tpu.memory_space<hbm>>
      tpu.wait_dma2 semaphore(%run_scoped3A : memref<!tpu.dma_semaphore, #tpu.memory_space<semaphore_mem>>) src(%dma_wait3A_21 : memref<640x64xf32, #tpu.memory_space<hbm>>) dst(%dma_wait3A_19 : memref<640x64xf32, #tpu.memory_space<vmem_shared>>)
      tpu.yield
    }) : () -> ()
    %barrier3A = arith.constant 0 : index
    tpu.barrier barrier_id(%barrier3A)
    %scan3A = arith.constant 0 : i32
    %scan3A_3 = arith.constant 0 : i32
    %scan3A_4 = arith.constant 2 : i32
    %scan3A_5 = arith.addi %scan3A_3, %scan3A_4 : i32
    %scan3A_6 = arith.constant 1 : i32
    scf.for %scan3A_16 = %scan3A_3 to %scan3A_5 step %scan3A_6  : i32 {
      %mul3A_17 = arith.constant 80 : i32
      %mul3A_18 = arith.muli %add3A, %mul3A_17 : i32
      %mul3A_19 = arith.constant 40 : i32
      %mul3A_20 = arith.muli %scan3A_16, %mul3A_19 : i32
      %add3A_21 = arith.addi %mul3A_18, %mul3A_20 : i32
      "tpu.region"() ({
        %run_scoped3A_68 = tpu.sem_alloc : memref<!tpu.dma_semaphore, #tpu.memory_space<semaphore_mem>>
        %dma_start3A_69 = arith.constant 0 : i32
        %dma_start3A_70 = tpu.memref_slice %arg3[%add3A_21, %dma_start3A_69] : memref<2560x128xi32, #tpu.memory_space<hbm>> -> memref<40x128xi32, #tpu.memory_space<hbm>>
        %dma_start3A_71 = arith.constant 0 : i32
        %dma_start3A_72 = tpu.memref_slice %arg3[%add3A_21, %dma_start3A_71] : memref<2560x128xi32, #tpu.memory_space<hbm>> -> memref<40x128xi32, #tpu.memory_space<hbm>>
        tpu.enqueue_dma source(%dma_start3A_72 : memref<40x128xi32, #tpu.memory_space<hbm>>) target(%arg7 : memref<40x128xi32, #tpu.memory_space<vmem>>) target_semaphore(%run_scoped3A_68 : memref<!tpu.dma_semaphore, #tpu.memory_space<semaphore_mem>>)
        %dma_wait3A_73 = arith.constant 0 : i32
        %dma_wait3A_74 = tpu.memref_slice %arg3[%add3A_21, %dma_wait3A_73] : memref<2560x128xi32, #tpu.memory_space<hbm>> -> memref<40x128xi32, #tpu.memory_space<hbm>>
        %dma_wait3A_75 = arith.constant 0 : i32
        %dma_wait3A_76 = tpu.memref_slice %arg3[%add3A_21, %dma_wait3A_75] : memref<2560x128xi32, #tpu.memory_space<hbm>> -> memref<40x128xi32, #tpu.memory_space<hbm>>
        tpu.wait_dma2 semaphore(%run_scoped3A_68 : memref<!tpu.dma_semaphore, #tpu.memory_space<semaphore_mem>>) src(%dma_wait3A_76 : memref<40x128xi32, #tpu.memory_space<hbm>>) dst(%arg7 : memref<40x128xi32, #tpu.memory_space<vmem>>)
        tpu.yield
      }) : () -> ()
      "tpu.region"() ({
        %run_scoped3A_68 = tpu.sem_alloc : memref<!tpu.dma_semaphore, #tpu.memory_space<semaphore_mem>>
        %dma_start3A_69 = arith.constant 0 : i32
        %dma_start3A_70 = tpu.memref_slice %arg4[%add3A_21, %dma_start3A_69] : memref<2560x128xi32, #tpu.memory_space<hbm>> -> memref<40x128xi32, #tpu.memory_space<hbm>>
        %dma_start3A_71 = arith.constant 0 : i32
        %dma_start3A_72 = tpu.memref_slice %arg4[%add3A_21, %dma_start3A_71] : memref<2560x128xi32, #tpu.memory_space<hbm>> -> memref<40x128xi32, #tpu.memory_space<hbm>>
        tpu.enqueue_dma source(%dma_start3A_72 : memref<40x128xi32, #tpu.memory_space<hbm>>) target(%arg8 : memref<40x128xi32, #tpu.memory_space<vmem>>) target_semaphore(%run_scoped3A_68 : memref<!tpu.dma_semaphore, #tpu.memory_space<semaphore_mem>>)
        %dma_wait3A_73 = arith.constant 0 : i32
        %dma_wait3A_74 = tpu.memref_slice %arg4[%add3A_21, %dma_wait3A_73] : memref<2560x128xi32, #tpu.memory_space<hbm>> -> memref<40x128xi32, #tpu.memory_space<hbm>>
        %dma_wait3A_75 = arith.constant 0 : i32
        %dma_wait3A_76 = tpu.memref_slice %arg4[%add3A_21, %dma_wait3A_75] : memref<2560x128xi32, #tpu.memory_space<hbm>> -> memref<40x128xi32, #tpu.memory_space<hbm>>
        tpu.wait_dma2 semaphore(%run_scoped3A_68 : memref<!tpu.dma_semaphore, #tpu.memory_space<semaphore_mem>>) src(%dma_wait3A_76 : memref<40x128xi32, #tpu.memory_space<hbm>>) dst(%arg8 : memref<40x128xi32, #tpu.memory_space<vmem>>)
        tpu.yield
      }) : () -> ()
      %dma_start3A = arith.constant 0 : i32
      %dma_start3A_22 = arith.constant 0 : i32
      %dma_start3A_23 = tpu.memref_slice %arg7[%dma_start3A, %dma_start3A_22] : memref<40x128xi32, #tpu.memory_space<vmem>> -> memref<1x128xi32, #tpu.memory_space<vmem>>
      %dma_start3A_24 = tpu.memref_squeeze %dma_start3A_23 : memref<1x128xi32, #tpu.memory_space<vmem>> -> memref<128xi32, #tpu.memory_space<vmem>>
      %dma_start3A_25 = arith.constant 0 : i32
      %dma_start3A_26 = arith.constant 0 : i32
      %dma_start3A_27 = tpu.memref_slice %arg12[%dma_start3A_25, %dma_start3A_26] : memref<10240x64xf32, #tpu.memory_space<vmem_shared>> -> memref<10240x64xf32, #tpu.memory_space<vmem_shared>>
      tpu.enqueue_indirect_dma source(%dma_start3A_27 : memref<10240x64xf32, #tpu.memory_space<vmem_shared>>) target(%arg9 : memref<128x64xf32, #tpu.memory_space<vmem>>) offsets(%dma_start3A_24 : memref<128xi32, #tpu.memory_space<vmem>>) semaphore(%arg13 : memref<!tpu.dma_semaphore, #tpu.memory_space<semaphore_mem>>)
      %scan3A_28 = arith.constant 0 : i32
      %scan3A_29 = arith.constant 0 : i32
      %scan3A_30 = arith.constant 19 : i32
      %scan3A_31 = arith.addi %scan3A_29, %scan3A_30 : i32
      %scan3A_32 = arith.constant 1 : i32
      scf.for %scan3A_68 = %scan3A_29 to %scan3A_31 step %scan3A_32  : i32 {
        %mul3A_69 = arith.constant 2 : i32
        %mul3A_70 = arith.muli %scan3A_68, %mul3A_69 : i32
        %dma_wait3A_71 = arith.constant 0 : i32
        %dma_wait3A_72 = arith.constant 0 : i32
        %dma_wait3A_73 = tpu.memref_slice %arg7[%dma_wait3A_71, %dma_wait3A_72] : memref<40x128xi32, #tpu.memory_space<vmem>> -> memref<1x128xi32, #tpu.memory_space<vmem>>
        %dma_wait3A_74 = tpu.memref_squeeze %dma_wait3A_73 : memref<1x128xi32, #tpu.memory_space<vmem>> -> memref<128xi32, #tpu.memory_space<vmem>>
        %dma_wait3A_75 = arith.constant 0 : i32
        %dma_wait3A_76 = arith.constant 0 : i32
        %dma_wait3A_77 = tpu.memref_slice %arg12[%dma_wait3A_75, %dma_wait3A_76] : memref<10240x64xf32, #tpu.memory_space<vmem_shared>> -> memref<10240x64xf32, #tpu.memory_space<vmem_shared>>
        tpu.wait_indirect_dma semaphore(%arg13 : memref<!tpu.dma_semaphore, #tpu.memory_space<semaphore_mem>>) src(%dma_wait3A_77 : memref<10240x64xf32, #tpu.memory_space<vmem_shared>>) dst(%arg9 : memref<128x64xf32, #tpu.memory_space<vmem>>)
        %add3A_78 = arith.constant 1 : i32
        %add3A_79 = arith.addi %mul3A_70, %add3A_78 : i32
        %dma_start3A_80 = arith.constant 0 : i32
        %dma_start3A_81 = tpu.memref_slice %arg7[%add3A_79, %dma_start3A_80] : memref<40x128xi32, #tpu.memory_space<vmem>> -> memref<1x128xi32, #tpu.memory_space<vmem>>
        %dma_start3A_82 = tpu.memref_squeeze %dma_start3A_81 : memref<1x128xi32, #tpu.memory_space<vmem>> -> memref<128xi32, #tpu.memory_space<vmem>>
        %dma_start3A_83 = arith.constant 0 : i32
        %dma_start3A_84 = arith.constant 0 : i32
        %dma_start3A_85 = tpu.memref_slice %arg12[%dma_start3A_83, %dma_start3A_84] : memref<10240x64xf32, #tpu.memory_space<vmem_shared>> -> memref<10240x64xf32, #tpu.memory_space<vmem_shared>>
        tpu.enqueue_indirect_dma source(%dma_start3A_85 : memref<10240x64xf32, #tpu.memory_space<vmem_shared>>) target(%arg10 : memref<128x64xf32, #tpu.memory_space<vmem>>) offsets(%dma_start3A_82 : memref<128xi32, #tpu.memory_space<vmem>>) semaphore(%arg14 : memref<!tpu.dma_semaphore, #tpu.memory_space<semaphore_mem>>)
        %dma_start3A_86 = arith.constant 0 : i32
        %dma_start3A_87 = tpu.memref_slice %arg8[%mul3A_70, %dma_start3A_86] : memref<40x128xi32, #tpu.memory_space<vmem>> -> memref<1x128xi32, #tpu.memory_space<vmem>>
        %dma_start3A_88 = tpu.memref_squeeze %dma_start3A_87 : memref<1x128xi32, #tpu.memory_space<vmem>> -> memref<128xi32, #tpu.memory_space<vmem>>
        %dma_start3A_89 = arith.constant 0 : i32
        %dma_start3A_90 = arith.constant 0 : i32
        %dma_start3A_91 = tpu.memref_slice %arg11[%dma_start3A_89, %dma_start3A_90] : memref<10240x64xf32, #tpu.memory_space<vmem_shared>> -> memref<10240x64xf32, #tpu.memory_space<vmem_shared>>
        tpu.enqueue_indirect_dma source(%arg9 : memref<128x64xf32, #tpu.memory_space<vmem>>) target(%dma_start3A_91 : memref<10240x64xf32, #tpu.memory_space<vmem_shared>>) offsets(%dma_start3A_88 : memref<128xi32, #tpu.memory_space<vmem>>) semaphore(%arg15 : memref<!tpu.dma_semaphore, #tpu.memory_space<semaphore_mem>>) {add = true}
        %dma_wait3A_92 = arith.constant 0 : i32
        %dma_wait3A_93 = arith.constant 0 : i32
        %dma_wait3A_94 = tpu.memref_slice %arg7[%dma_wait3A_92, %dma_wait3A_93] : memref<40x128xi32, #tpu.memory_space<vmem>> -> memref<1x128xi32, #tpu.memory_space<vmem>>
        %dma_wait3A_95 = tpu.memref_squeeze %dma_wait3A_94 : memref<1x128xi32, #tpu.memory_space<vmem>> -> memref<128xi32, #tpu.memory_space<vmem>>
        %dma_wait3A_96 = arith.constant 0 : i32
        %dma_wait3A_97 = arith.constant 0 : i32
        %dma_wait3A_98 = tpu.memref_slice %arg12[%dma_wait3A_96, %dma_wait3A_97] : memref<10240x64xf32, #tpu.memory_space<vmem_shared>> -> memref<10240x64xf32, #tpu.memory_space<vmem_shared>>
        tpu.wait_indirect_dma semaphore(%arg14 : memref<!tpu.dma_semaphore, #tpu.memory_space<semaphore_mem>>) src(%dma_wait3A_98 : memref<10240x64xf32, #tpu.memory_space<vmem_shared>>) dst(%arg10 : memref<128x64xf32, #tpu.memory_space<vmem>>)
        %dma_wait3A_99 = arith.constant 0 : i32
        %dma_wait3A_100 = arith.constant 0 : i32
        %dma_wait3A_101 = tpu.memref_slice %arg8[%dma_wait3A_99, %dma_wait3A_100] : memref<40x128xi32, #tpu.memory_space<vmem>> -> memref<1x128xi32, #tpu.memory_space<vmem>>
        %dma_wait3A_102 = tpu.memref_squeeze %dma_wait3A_101 : memref<1x128xi32, #tpu.memory_space<vmem>> -> memref<128xi32, #tpu.memory_space<vmem>>
        %dma_wait3A_103 = arith.constant 0 : i32
        %dma_wait3A_104 = arith.constant 0 : i32
        %dma_wait3A_105 = tpu.memref_slice %arg11[%dma_wait3A_103, %dma_wait3A_104] : memref<10240x64xf32, #tpu.memory_space<vmem_shared>> -> memref<10240x64xf32, #tpu.memory_space<vmem_shared>>
        tpu.wait_indirect_dma semaphore(%arg15 : memref<!tpu.dma_semaphore, #tpu.memory_space<semaphore_mem>>) src(%arg9 : memref<128x64xf32, #tpu.memory_space<vmem>>) dst(%dma_wait3A_105 : memref<10240x64xf32, #tpu.memory_space<vmem_shared>>)
        %add3A_106 = arith.constant 2 : i32
        %add3A_107 = arith.addi %mul3A_70, %add3A_106 : i32
        %dma_start3A_108 = arith.constant 0 : i32
        %dma_start3A_109 = tpu.memref_slice %arg7[%add3A_107, %dma_start3A_108] : memref<40x128xi32, #tpu.memory_space<vmem>> -> memref<1x128xi32, #tpu.memory_space<vmem>>
        %dma_start3A_110 = tpu.memref_squeeze %dma_start3A_109 : memref<1x128xi32, #tpu.memory_space<vmem>> -> memref<128xi32, #tpu.memory_space<vmem>>
        %dma_start3A_111 = arith.constant 0 : i32
        %dma_start3A_112 = arith.constant 0 : i32
        %dma_start3A_113 = tpu.memref_slice %arg12[%dma_start3A_111, %dma_start3A_112] : memref<10240x64xf32, #tpu.memory_space<vmem_shared>> -> memref<10240x64xf32, #tpu.memory_space<vmem_shared>>
        tpu.enqueue_indirect_dma source(%dma_start3A_113 : memref<10240x64xf32, #tpu.memory_space<vmem_shared>>) target(%arg9 : memref<128x64xf32, #tpu.memory_space<vmem>>) offsets(%dma_start3A_110 : memref<128xi32, #tpu.memory_space<vmem>>) semaphore(%arg13 : memref<!tpu.dma_semaphore, #tpu.memory_space<semaphore_mem>>)
        %add3A_114 = arith.constant 1 : i32
        %add3A_115 = arith.addi %mul3A_70, %add3A_114 : i32
        %dma_start3A_116 = arith.constant 0 : i32
        %dma_start3A_117 = tpu.memref_slice %arg8[%add3A_115, %dma_start3A_116] : memref<40x128xi32, #tpu.memory_space<vmem>> -> memref<1x128xi32, #tpu.memory_space<vmem>>
        %dma_start3A_118 = tpu.memref_squeeze %dma_start3A_117 : memref<1x128xi32, #tpu.memory_space<vmem>> -> memref<128xi32, #tpu.memory_space<vmem>>
        %dma_start3A_119 = arith.constant 0 : i32
        %dma_start3A_120 = arith.constant 0 : i32
        %dma_start3A_121 = tpu.memref_slice %arg11[%dma_start3A_119, %dma_start3A_120] : memref<10240x64xf32, #tpu.memory_space<vmem_shared>> -> memref<10240x64xf32, #tpu.memory_space<vmem_shared>>
        tpu.enqueue_indirect_dma source(%arg10 : memref<128x64xf32, #tpu.memory_space<vmem>>) target(%dma_start3A_121 : memref<10240x64xf32, #tpu.memory_space<vmem_shared>>) offsets(%dma_start3A_118 : memref<128xi32, #tpu.memory_space<vmem>>) semaphore(%arg16 : memref<!tpu.dma_semaphore, #tpu.memory_space<semaphore_mem>>) {add = true}
        %dma_wait3A_122 = arith.constant 0 : i32
        %dma_wait3A_123 = arith.constant 0 : i32
        %dma_wait3A_124 = tpu.memref_slice %arg8[%dma_wait3A_122, %dma_wait3A_123] : memref<40x128xi32, #tpu.memory_space<vmem>> -> memref<1x128xi32, #tpu.memory_space<vmem>>
        %dma_wait3A_125 = tpu.memref_squeeze %dma_wait3A_124 : memref<1x128xi32, #tpu.memory_space<vmem>> -> memref<128xi32, #tpu.memory_space<vmem>>
        %dma_wait3A_126 = arith.constant 0 : i32
        %dma_wait3A_127 = arith.constant 0 : i32
        %dma_wait3A_128 = tpu.memref_slice %arg11[%dma_wait3A_126, %dma_wait3A_127] : memref<10240x64xf32, #tpu.memory_space<vmem_shared>> -> memref<10240x64xf32, #tpu.memory_space<vmem_shared>>
        tpu.wait_indirect_dma semaphore(%arg16 : memref<!tpu.dma_semaphore, #tpu.memory_space<semaphore_mem>>) src(%arg10 : memref<128x64xf32, #tpu.memory_space<vmem>>) dst(%dma_wait3A_128 : memref<10240x64xf32, #tpu.memory_space<vmem_shared>>)
      }
      %scan3A_33 = arith.constant 19 : i32
      %dma_wait3A = arith.constant 0 : i32
      %dma_wait3A_34 = arith.constant 0 : i32
      %dma_wait3A_35 = tpu.memref_slice %arg7[%dma_wait3A, %dma_wait3A_34] : memref<40x128xi32, #tpu.memory_space<vmem>> -> memref<1x128xi32, #tpu.memory_space<vmem>>
      %dma_wait3A_36 = tpu.memref_squeeze %dma_wait3A_35 : memref<1x128xi32, #tpu.memory_space<vmem>> -> memref<128xi32, #tpu.memory_space<vmem>>
      %dma_wait3A_37 = arith.constant 0 : i32
      %dma_wait3A_38 = arith.constant 0 : i32
      %dma_wait3A_39 = tpu.memref_slice %arg12[%dma_wait3A_37, %dma_wait3A_38] : memref<10240x64xf32, #tpu.memory_space<vmem_shared>> -> memref<10240x64xf32, #tpu.memory_space<vmem_shared>>
      tpu.wait_indirect_dma semaphore(%arg13 : memref<!tpu.dma_semaphore, #tpu.memory_space<semaphore_mem>>) src(%dma_wait3A_39 : memref<10240x64xf32, #tpu.memory_space<vmem_shared>>) dst(%arg9 : memref<128x64xf32, #tpu.memory_space<vmem>>)
      %dma_start3A_40 = arith.constant 39 : i32
      %dma_start3A_41 = arith.constant 0 : i32
      %dma_start3A_42 = tpu.memref_slice %arg7[%dma_start3A_40, %dma_start3A_41] : memref<40x128xi32, #tpu.memory_space<vmem>> -> memref<1x128xi32, #tpu.memory_space<vmem>>
      %dma_start3A_43 = tpu.memref_squeeze %dma_start3A_42 : memref<1x128xi32, #tpu.memory_space<vmem>> -> memref<128xi32, #tpu.memory_space<vmem>>
      %dma_start3A_44 = arith.constant 0 : i32
      %dma_start3A_45 = arith.constant 0 : i32
      %dma_start3A_46 = tpu.memref_slice %arg12[%dma_start3A_44, %dma_start3A_45] : memref<10240x64xf32, #tpu.memory_space<vmem_shared>> -> memref<10240x64xf32, #tpu.memory_space<vmem_shared>>
      tpu.enqueue_indirect_dma source(%dma_start3A_46 : memref<10240x64xf32, #tpu.memory_space<vmem_shared>>) target(%arg10 : memref<128x64xf32, #tpu.memory_space<vmem>>) offsets(%dma_start3A_43 : memref<128xi32, #tpu.memory_space<vmem>>) semaphore(%arg14 : memref<!tpu.dma_semaphore, #tpu.memory_space<semaphore_mem>>)
      %dma_start3A_47 = arith.constant 38 : i32
      %dma_start3A_48 = arith.constant 0 : i32
      %dma_start3A_49 = tpu.memref_slice %arg8[%dma_start3A_47, %dma_start3A_48] : memref<40x128xi32, #tpu.memory_space<vmem>> -> memref<1x128xi32, #tpu.memory_space<vmem>>
      %dma_start3A_50 = tpu.memref_squeeze %dma_start3A_49 : memref<1x128xi32, #tpu.memory_space<vmem>> -> memref<128xi32, #tpu.memory_space<vmem>>
      %dma_start3A_51 = arith.constant 0 : i32
      %dma_start3A_52 = arith.constant 0 : i32
      %dma_start3A_53 = tpu.memref_slice %arg11[%dma_start3A_51, %dma_start3A_52] : memref<10240x64xf32, #tpu.memory_space<vmem_shared>> -> memref<10240x64xf32, #tpu.memory_space<vmem_shared>>
      tpu.enqueue_indirect_dma source(%arg9 : memref<128x64xf32, #tpu.memory_space<vmem>>) target(%dma_start3A_53 : memref<10240x64xf32, #tpu.memory_space<vmem_shared>>) offsets(%dma_start3A_50 : memref<128xi32, #tpu.memory_space<vmem>>) semaphore(%arg15 : memref<!tpu.dma_semaphore, #tpu.memory_space<semaphore_mem>>) {add = true}
      %dma_wait3A_54 = arith.constant 0 : i32
      %dma_wait3A_55 = arith.constant 0 : i32
      %dma_wait3A_56 = tpu.memref_slice %arg7[%dma_wait3A_54, %dma_wait3A_55] : memref<40x128xi32, #tpu.memory_space<vmem>> -> memref<1x128xi32, #tpu.memory_space<vmem>>
      %dma_wait3A_57 = tpu.memref_squeeze %dma_wait3A_56 : memref<1x128xi32, #tpu.memory_space<vmem>> -> memref<128xi32, #tpu.memory_space<vmem>>
      %dma_wait3A_58 = arith.constant 0 : i32
      %dma_wait3A_59 = arith.constant 0 : i32
      %dma_wait3A_60 = tpu.memref_slice %arg12[%dma_wait3A_58, %dma_wait3A_59] : memref<10240x64xf32, #tpu.memory_space<vmem_shared>> -> memref<10240x64xf32, #tpu.memory_space<vmem_shared>>
      tpu.wait_indirect_dma semaphore(%arg14 : memref<!tpu.dma_semaphore, #tpu.memory_space<semaphore_mem>>) src(%dma_wait3A_60 : memref<10240x64xf32, #tpu.memory_space<vmem_shared>>) dst(%arg10 : memref<128x64xf32, #tpu.memory_space<vmem>>)
      %dma_wait3A_61 = arith.constant 0 : i32
      %dma_wait3A_62 = arith.constant 0 : i32
      %dma_wait3A_63 = tpu.memref_slice %arg8[%dma_wait3A_61, %dma_wait3A_62] : memref<40x128xi32, #tpu.memory_space<vmem>> -> memref<1x128xi32, #tpu.memory_space<vmem>>
      %dma_wait3A_64 = tpu.memref_squeeze %dma_wait3A_63 : memref<1x128xi32, #tpu.memory_space<vmem>> -> memref<128xi32, #tpu.memory_space<vmem>>
      %dma_wait3A_65 = arith.constant 0 : i32
      %dma_wait3A_66 = arith.constant 0 : i32
      %dma_wait3A_67 = tpu.memref_slice %arg11[%dma_wait3A_65, %dma_wait3A_66] : memref<10240x64xf32, #tpu.memory_space<vmem_shared>> -> memref<10240x64xf32, #tpu.memory_space<vmem_shared>>
      tpu.wait_indirect_dma semaphore(%arg15 : memref<!tpu.dma_semaphore, #tpu.memory_space<semaphore_mem>>) src(%arg9 : memref<128x64xf32, #tpu.memory_space<vmem>>) dst(%dma_wait3A_67 : memref<10240x64xf32, #tpu.memory_space<vmem_shared>>)
      %run_scoped3A = arith.constant 39 : i32
      "tpu.region"() ({
        %run_scoped3A_68 = tpu.sem_alloc : memref<!tpu.dma_semaphore, #tpu.memory_space<semaphore_mem>>
        %dma_start3A_69 = arith.constant 0 : i32
        %dma_start3A_70 = tpu.memref_slice %arg8[%run_scoped3A, %dma_start3A_69] : memref<40x128xi32, #tpu.memory_space<vmem>> -> memref<1x128xi32, #tpu.memory_space<vmem>>
        %dma_start3A_71 = tpu.memref_squeeze %dma_start3A_70 : memref<1x128xi32, #tpu.memory_space<vmem>> -> memref<128xi32, #tpu.memory_space<vmem>>
        %dma_start3A_72 = arith.constant 0 : i32
        %dma_start3A_73 = arith.constant 0 : i32
        %dma_start3A_74 = tpu.memref_slice %arg11[%dma_start3A_72, %dma_start3A_73] : memref<10240x64xf32, #tpu.memory_space<vmem_shared>> -> memref<10240x64xf32, #tpu.memory_space<vmem_shared>>
        tpu.enqueue_indirect_dma source(%arg10 : memref<128x64xf32, #tpu.memory_space<vmem>>) target(%dma_start3A_74 : memref<10240x64xf32, #tpu.memory_space<vmem_shared>>) offsets(%dma_start3A_71 : memref<128xi32, #tpu.memory_space<vmem>>) semaphore(%run_scoped3A_68 : memref<!tpu.dma_semaphore, #tpu.memory_space<semaphore_mem>>) {add = true}
        %dma_wait3A_75 = arith.constant 0 : i32
        %dma_wait3A_76 = tpu.memref_slice %arg8[%run_scoped3A, %dma_wait3A_75] : memref<40x128xi32, #tpu.memory_space<vmem>> -> memref<1x128xi32, #tpu.memory_space<vmem>>
        %dma_wait3A_77 = tpu.memref_squeeze %dma_wait3A_76 : memref<1x128xi32, #tpu.memory_space<vmem>> -> memref<128xi32, #tpu.memory_space<vmem>>
        %dma_wait3A_78 = arith.constant 0 : i32
        %dma_wait3A_79 = arith.constant 0 : i32
        %dma_wait3A_80 = tpu.memref_slice %arg11[%dma_wait3A_78, %dma_wait3A_79] : memref<10240x64xf32, #tpu.memory_space<vmem_shared>> -> memref<10240x64xf32, #tpu.memory_space<vmem_shared>>
        tpu.wait_indirect_dma semaphore(%run_scoped3A_68 : memref<!tpu.dma_semaphore, #tpu.memory_space<semaphore_mem>>) src(%arg10 : memref<128x64xf32, #tpu.memory_space<vmem>>) dst(%dma_wait3A_80 : memref<10240x64xf32, #tpu.memory_space<vmem_shared>>)
        tpu.yield
      }) : () -> ()
    }
    %scan3A_7 = arith.constant 2 : i32
    %barrier3A_8 = arith.constant 0 : index
    tpu.barrier barrier_id(%barrier3A_8)
    %eq3A = arith.constant 0 : i32
    %eq3A_9 = arith.cmpi eq, %arg0, %eq3A : i32
    %convert_element_type3A = arith.extui %eq3A_9 : i1 to i32
    %cond3A = arith.constant 0 : i32
    %cond3A_10 = arith.cmpi ne, %convert_element_type3A, %cond3A : i32
    scf.if %cond3A_10 {
      "tpu.region"() ({
        %run_scoped3A = tpu.sem_alloc : memref<!tpu.dma_semaphore, #tpu.memory_space<semaphore_mem>>
        %dma_start3A = arith.constant 0 : i32
        %dma_start3A_16 = tpu.memref_slice %arg5[%mul3A_2, %dma_start3A] : memref<10240x64xf32, #tpu.memory_space<hbm>> -> memref<640x64xf32, #tpu.memory_space<hbm>>
        %dma_start3A_17 = arith.constant 0 : i32
        %dma_start3A_18 = tpu.memref_slice %arg11[%mul3A_2, %dma_start3A_17] : memref<10240x64xf32, #tpu.memory_space<vmem_shared>> -> memref<640x64xf32, #tpu.memory_space<vmem_shared>>
        tpu.enqueue_dma source(%dma_start3A_18 : memref<640x64xf32, #tpu.memory_space<vmem_shared>>) target(%dma_start3A_16 : memref<640x64xf32, #tpu.memory_space<hbm>>) target_semaphore(%run_scoped3A : memref<!tpu.dma_semaphore, #tpu.memory_space<semaphore_mem>>)
        %dma_wait3A = arith.constant 0 : i32
        %dma_wait3A_19 = tpu.memref_slice %arg5[%mul3A_2, %dma_wait3A] : memref<10240x64xf32, #tpu.memory_space<hbm>> -> memref<640x64xf32, #tpu.memory_space<hbm>>
        %dma_wait3A_20 = arith.constant 0 : i32
        %dma_wait3A_21 = tpu.memref_slice %arg11[%mul3A_2, %dma_wait3A_20] : memref<10240x64xf32, #tpu.memory_space<vmem_shared>> -> memref<640x64xf32, #tpu.memory_space<vmem_shared>>
        tpu.wait_dma2 semaphore(%run_scoped3A : memref<!tpu.dma_semaphore, #tpu.memory_space<semaphore_mem>>) src(%dma_wait3A_21 : memref<640x64xf32, #tpu.memory_space<vmem_shared>>) dst(%dma_wait3A_19 : memref<640x64xf32, #tpu.memory_space<hbm>>)
        tpu.yield
      }) : () -> ()
    } else {
    }
    %eq3A_11 = arith.constant 1 : i32
    %eq3A_12 = arith.cmpi eq, %arg0, %eq3A_11 : i32
    %convert_element_type3A_13 = arith.extui %eq3A_12 : i1 to i32
    %cond3A_14 = arith.constant 0 : i32
    %cond3A_15 = arith.cmpi ne, %convert_element_type3A_13, %cond3A_14 : i32
    scf.if %cond3A_15 {
      "tpu.region"() ({
        %run_scoped3A = tpu.sem_alloc : memref<!tpu.dma_semaphore, #tpu.memory_space<semaphore_mem>>
        %dma_start3A = arith.constant 0 : i32
        %dma_start3A_16 = tpu.memref_slice %arg6[%mul3A_2, %dma_start3A] : memref<10240x64xf32, #tpu.memory_space<hbm>> -> memref<640x64xf32, #tpu.memory_space<hbm>>
        %dma_start3A_17 = arith.constant 0 : i32
        %dma_start3A_18 = tpu.memref_slice %arg11[%mul3A_2, %dma_start3A_17] : memref<10240x64xf32, #tpu.memory_space<vmem_shared>> -> memref<640x64xf32, #tpu.memory_space<vmem_shared>>
        tpu.enqueue_dma source(%dma_start3A_18 : memref<640x64xf32, #tpu.memory_space<vmem_shared>>) target(%dma_start3A_16 : memref<640x64xf32, #tpu.memory_space<hbm>>) target_semaphore(%run_scoped3A : memref<!tpu.dma_semaphore, #tpu.memory_space<semaphore_mem>>)
        %dma_wait3A = arith.constant 0 : i32
        %dma_wait3A_19 = tpu.memref_slice %arg6[%mul3A_2, %dma_wait3A] : memref<10240x64xf32, #tpu.memory_space<hbm>> -> memref<640x64xf32, #tpu.memory_space<hbm>>
        %dma_wait3A_20 = arith.constant 0 : i32
        %dma_wait3A_21 = tpu.memref_slice %arg11[%mul3A_2, %dma_wait3A_20] : memref<10240x64xf32, #tpu.memory_space<vmem_shared>> -> memref<640x64xf32, #tpu.memory_space<vmem_shared>>
        tpu.wait_dma2 semaphore(%run_scoped3A : memref<!tpu.dma_semaphore, #tpu.memory_space<semaphore_mem>>) src(%dma_wait3A_21 : memref<640x64xf32, #tpu.memory_space<vmem_shared>>) dst(%dma_wait3A_19 : memref<640x64xf32, #tpu.memory_space<hbm>>)
        tpu.yield
      }) : () -> ()
    } else {
    }
    return
  }
}

#map = affine_map<(d0, d1) -> (0, 0)>
module attributes {stable_mosaic.version = 14 : i64} {
  func.func @edge_kernel(%arg0: i32, %arg1: i32, %arg2: memref<10240x64xf32, #tpu.memory_space<hbm>>, %arg3: memref<10240x64xf32, #tpu.memory_space<hbm>>, %arg4: memref<2560x128xi32, #tpu.memory_space<hbm>>, %arg5: memref<2560x128xi32, #tpu.memory_space<hbm>>, %arg6: memref<10240x64xf32, #tpu.memory_space<hbm>>, %arg7: memref<10240x64xf32, #tpu.memory_space<hbm>>, %arg8: memref<10240x64xf32, #tpu.memory_space<hbm>>, %arg9: memref<10240x64xf32, #tpu.memory_space<hbm>>, %arg10: memref<40x128xi32, #tpu.memory_space<vmem>>, %arg11: memref<40x128xi32, #tpu.memory_space<vmem>>, %arg12: memref<128x64xf32, #tpu.memory_space<vmem>>, %arg13: memref<128x64xf32, #tpu.memory_space<vmem>>, %arg14: memref<10240x64xf32, #tpu.memory_space<vmem_shared>>, %arg15: memref<10240x64xf32, #tpu.memory_space<vmem_shared>>, %arg16: memref<!tpu.dma_semaphore, #tpu.memory_space<semaphore_mem>>, %arg17: memref<!tpu.dma_semaphore, #tpu.memory_space<semaphore_mem>>, %arg18: memref<!tpu.dma_semaphore, #tpu.memory_space<semaphore_mem>>, %arg19: memref<!tpu.dma_semaphore, #tpu.memory_space<semaphore_mem>>) attributes {dimension_semantics = [#tpu.dimension_semantics<core_parallel>, #tpu.dimension_semantics<subcore_parallel>], iteration_bounds = array<i64: 2, 16>, scalar_prefetch = 0 : i64, scratch_operands = 10 : i64, tpu.core_type = #tpu.core_type<sc_vector_subcore>, window_params = [{transform_indices = #map}, {transform_indices = #map}, {transform_indices = #map}, {transform_indices = #map}, {transform_indices = #map}, {transform_indices = #map}, {transform_indices = #map}, {transform_indices = #map}]} {
    %mul3A = arith.constant 2 : i32
    %mul3A_0 = arith.muli %arg1, %mul3A : i32
    %add3A = arith.addi %mul3A_0, %arg0 : i32
    %mul3A_1 = arith.constant 640 : i32
    %mul3A_2 = arith.muli %arg1, %mul3A_1 : i32
    "tpu.region"() ({
      %run_scoped3A = tpu.sem_alloc : memref<!tpu.dma_semaphore, #tpu.memory_space<semaphore_mem>>
      %dma_start3A = arith.constant 0 : i32
      %dma_start3A_34 = tpu.memref_slice %arg14[%mul3A_2, %dma_start3A] : memref<10240x64xf32, #tpu.memory_space<vmem_shared>> -> memref<640x64xf32, #tpu.memory_space<vmem_shared>>
      %dma_start3A_35 = arith.constant 0 : i32
      %dma_start3A_36 = tpu.memref_slice %arg2[%mul3A_2, %dma_start3A_35] : memref<10240x64xf32, #tpu.memory_space<hbm>> -> memref<640x64xf32, #tpu.memory_space<hbm>>
      tpu.enqueue_dma source(%dma_start3A_36 : memref<640x64xf32, #tpu.memory_space<hbm>>) target(%dma_start3A_34 : memref<640x64xf32, #tpu.memory_space<vmem_shared>>) target_semaphore(%run_scoped3A : memref<!tpu.dma_semaphore, #tpu.memory_space<semaphore_mem>>)
      %dma_wait3A = arith.constant 0 : i32
      %dma_wait3A_37 = tpu.memref_slice %arg14[%mul3A_2, %dma_wait3A] : memref<10240x64xf32, #tpu.memory_space<vmem_shared>> -> memref<640x64xf32, #tpu.memory_space<vmem_shared>>
      %dma_wait3A_38 = arith.constant 0 : i32
      %dma_wait3A_39 = tpu.memref_slice %arg2[%mul3A_2, %dma_wait3A_38] : memref<10240x64xf32, #tpu.memory_space<hbm>> -> memref<640x64xf32, #tpu.memory_space<hbm>>
      tpu.wait_dma2 semaphore(%run_scoped3A : memref<!tpu.dma_semaphore, #tpu.memory_space<semaphore_mem>>) src(%dma_wait3A_39 : memref<640x64xf32, #tpu.memory_space<hbm>>) dst(%dma_wait3A_37 : memref<640x64xf32, #tpu.memory_space<vmem_shared>>)
      tpu.yield
    }) : () -> ()
    "tpu.region"() ({
      %run_scoped3A = tpu.sem_alloc : memref<!tpu.dma_semaphore, #tpu.memory_space<semaphore_mem>>
      %dma_start3A = arith.constant 0 : i32
      %dma_start3A_34 = tpu.memref_slice %arg15[%mul3A_2, %dma_start3A] : memref<10240x64xf32, #tpu.memory_space<vmem_shared>> -> memref<640x64xf32, #tpu.memory_space<vmem_shared>>
      %dma_start3A_35 = arith.constant 0 : i32
      %dma_start3A_36 = tpu.memref_slice %arg2[%mul3A_2, %dma_start3A_35] : memref<10240x64xf32, #tpu.memory_space<hbm>> -> memref<640x64xf32, #tpu.memory_space<hbm>>
      tpu.enqueue_dma source(%dma_start3A_36 : memref<640x64xf32, #tpu.memory_space<hbm>>) target(%dma_start3A_34 : memref<640x64xf32, #tpu.memory_space<vmem_shared>>) target_semaphore(%run_scoped3A : memref<!tpu.dma_semaphore, #tpu.memory_space<semaphore_mem>>)
      %dma_wait3A = arith.constant 0 : i32
      %dma_wait3A_37 = tpu.memref_slice %arg15[%mul3A_2, %dma_wait3A] : memref<10240x64xf32, #tpu.memory_space<vmem_shared>> -> memref<640x64xf32, #tpu.memory_space<vmem_shared>>
      %dma_wait3A_38 = arith.constant 0 : i32
      %dma_wait3A_39 = tpu.memref_slice %arg2[%mul3A_2, %dma_wait3A_38] : memref<10240x64xf32, #tpu.memory_space<hbm>> -> memref<640x64xf32, #tpu.memory_space<hbm>>
      tpu.wait_dma2 semaphore(%run_scoped3A : memref<!tpu.dma_semaphore, #tpu.memory_space<semaphore_mem>>) src(%dma_wait3A_39 : memref<640x64xf32, #tpu.memory_space<hbm>>) dst(%dma_wait3A_37 : memref<640x64xf32, #tpu.memory_space<vmem_shared>>)
      tpu.yield
    }) : () -> ()
    %barrier3A = arith.constant 0 : index
    tpu.barrier barrier_id(%barrier3A)
    %scan3A = arith.constant 0 : i32
    %scan3A_3 = arith.constant 0 : i32
    %scan3A_4 = arith.constant 2 : i32
    %scan3A_5 = arith.addi %scan3A_3, %scan3A_4 : i32
    %scan3A_6 = arith.constant 1 : i32
    scf.for %scan3A_34 = %scan3A_3 to %scan3A_5 step %scan3A_6  : i32 {
      %mul3A_35 = arith.constant 80 : i32
      %mul3A_36 = arith.muli %add3A, %mul3A_35 : i32
      %mul3A_37 = arith.constant 40 : i32
      %mul3A_38 = arith.muli %scan3A_34, %mul3A_37 : i32
      %add3A_39 = arith.addi %mul3A_36, %mul3A_38 : i32
      "tpu.region"() ({
        %run_scoped3A_86 = tpu.sem_alloc : memref<!tpu.dma_semaphore, #tpu.memory_space<semaphore_mem>>
        %dma_start3A_87 = arith.constant 0 : i32
        %dma_start3A_88 = tpu.memref_slice %arg4[%add3A_39, %dma_start3A_87] : memref<2560x128xi32, #tpu.memory_space<hbm>> -> memref<40x128xi32, #tpu.memory_space<hbm>>
        %dma_start3A_89 = arith.constant 0 : i32
        %dma_start3A_90 = tpu.memref_slice %arg4[%add3A_39, %dma_start3A_89] : memref<2560x128xi32, #tpu.memory_space<hbm>> -> memref<40x128xi32, #tpu.memory_space<hbm>>
        tpu.enqueue_dma source(%dma_start3A_90 : memref<40x128xi32, #tpu.memory_space<hbm>>) target(%arg10 : memref<40x128xi32, #tpu.memory_space<vmem>>) target_semaphore(%run_scoped3A_86 : memref<!tpu.dma_semaphore, #tpu.memory_space<semaphore_mem>>)
        %dma_wait3A_91 = arith.constant 0 : i32
        %dma_wait3A_92 = tpu.memref_slice %arg4[%add3A_39, %dma_wait3A_91] : memref<2560x128xi32, #tpu.memory_space<hbm>> -> memref<40x128xi32, #tpu.memory_space<hbm>>
        %dma_wait3A_93 = arith.constant 0 : i32
        %dma_wait3A_94 = tpu.memref_slice %arg4[%add3A_39, %dma_wait3A_93] : memref<2560x128xi32, #tpu.memory_space<hbm>> -> memref<40x128xi32, #tpu.memory_space<hbm>>
        tpu.wait_dma2 semaphore(%run_scoped3A_86 : memref<!tpu.dma_semaphore, #tpu.memory_space<semaphore_mem>>) src(%dma_wait3A_94 : memref<40x128xi32, #tpu.memory_space<hbm>>) dst(%arg10 : memref<40x128xi32, #tpu.memory_space<vmem>>)
        tpu.yield
      }) : () -> ()
      "tpu.region"() ({
        %run_scoped3A_86 = tpu.sem_alloc : memref<!tpu.dma_semaphore, #tpu.memory_space<semaphore_mem>>
        %dma_start3A_87 = arith.constant 0 : i32
        %dma_start3A_88 = tpu.memref_slice %arg5[%add3A_39, %dma_start3A_87] : memref<2560x128xi32, #tpu.memory_space<hbm>> -> memref<40x128xi32, #tpu.memory_space<hbm>>
        %dma_start3A_89 = arith.constant 0 : i32
        %dma_start3A_90 = tpu.memref_slice %arg5[%add3A_39, %dma_start3A_89] : memref<2560x128xi32, #tpu.memory_space<hbm>> -> memref<40x128xi32, #tpu.memory_space<hbm>>
        tpu.enqueue_dma source(%dma_start3A_90 : memref<40x128xi32, #tpu.memory_space<hbm>>) target(%arg11 : memref<40x128xi32, #tpu.memory_space<vmem>>) target_semaphore(%run_scoped3A_86 : memref<!tpu.dma_semaphore, #tpu.memory_space<semaphore_mem>>)
        %dma_wait3A_91 = arith.constant 0 : i32
        %dma_wait3A_92 = tpu.memref_slice %arg5[%add3A_39, %dma_wait3A_91] : memref<2560x128xi32, #tpu.memory_space<hbm>> -> memref<40x128xi32, #tpu.memory_space<hbm>>
        %dma_wait3A_93 = arith.constant 0 : i32
        %dma_wait3A_94 = tpu.memref_slice %arg5[%add3A_39, %dma_wait3A_93] : memref<2560x128xi32, #tpu.memory_space<hbm>> -> memref<40x128xi32, #tpu.memory_space<hbm>>
        tpu.wait_dma2 semaphore(%run_scoped3A_86 : memref<!tpu.dma_semaphore, #tpu.memory_space<semaphore_mem>>) src(%dma_wait3A_94 : memref<40x128xi32, #tpu.memory_space<hbm>>) dst(%arg11 : memref<40x128xi32, #tpu.memory_space<vmem>>)
        tpu.yield
      }) : () -> ()
      %dma_start3A = arith.constant 0 : i32
      %dma_start3A_40 = arith.constant 0 : i32
      %dma_start3A_41 = tpu.memref_slice %arg10[%dma_start3A, %dma_start3A_40] : memref<40x128xi32, #tpu.memory_space<vmem>> -> memref<1x128xi32, #tpu.memory_space<vmem>>
      %dma_start3A_42 = tpu.memref_squeeze %dma_start3A_41 : memref<1x128xi32, #tpu.memory_space<vmem>> -> memref<128xi32, #tpu.memory_space<vmem>>
      %dma_start3A_43 = arith.constant 0 : i32
      %dma_start3A_44 = arith.constant 0 : i32
      %dma_start3A_45 = tpu.memref_slice %arg15[%dma_start3A_43, %dma_start3A_44] : memref<10240x64xf32, #tpu.memory_space<vmem_shared>> -> memref<10240x64xf32, #tpu.memory_space<vmem_shared>>
      tpu.enqueue_indirect_dma source(%dma_start3A_45 : memref<10240x64xf32, #tpu.memory_space<vmem_shared>>) target(%arg12 : memref<128x64xf32, #tpu.memory_space<vmem>>) offsets(%dma_start3A_42 : memref<128xi32, #tpu.memory_space<vmem>>) semaphore(%arg16 : memref<!tpu.dma_semaphore, #tpu.memory_space<semaphore_mem>>)
      %scan3A_46 = arith.constant 0 : i32
      %scan3A_47 = arith.constant 0 : i32
      %scan3A_48 = arith.constant 19 : i32
      %scan3A_49 = arith.addi %scan3A_47, %scan3A_48 : i32
      %scan3A_50 = arith.constant 1 : i32
      scf.for %scan3A_86 = %scan3A_47 to %scan3A_49 step %scan3A_50  : i32 {
        %mul3A_87 = arith.constant 2 : i32
        %mul3A_88 = arith.muli %scan3A_86, %mul3A_87 : i32
        %dma_wait3A_89 = arith.constant 0 : i32
        %dma_wait3A_90 = arith.constant 0 : i32
        %dma_wait3A_91 = tpu.memref_slice %arg10[%dma_wait3A_89, %dma_wait3A_90] : memref<40x128xi32, #tpu.memory_space<vmem>> -> memref<1x128xi32, #tpu.memory_space<vmem>>
        %dma_wait3A_92 = tpu.memref_squeeze %dma_wait3A_91 : memref<1x128xi32, #tpu.memory_space<vmem>> -> memref<128xi32, #tpu.memory_space<vmem>>
        %dma_wait3A_93 = arith.constant 0 : i32
        %dma_wait3A_94 = arith.constant 0 : i32
        %dma_wait3A_95 = tpu.memref_slice %arg15[%dma_wait3A_93, %dma_wait3A_94] : memref<10240x64xf32, #tpu.memory_space<vmem_shared>> -> memref<10240x64xf32, #tpu.memory_space<vmem_shared>>
        tpu.wait_indirect_dma semaphore(%arg16 : memref<!tpu.dma_semaphore, #tpu.memory_space<semaphore_mem>>) src(%dma_wait3A_95 : memref<10240x64xf32, #tpu.memory_space<vmem_shared>>) dst(%arg12 : memref<128x64xf32, #tpu.memory_space<vmem>>)
        %add3A_96 = arith.constant 1 : i32
        %add3A_97 = arith.addi %mul3A_88, %add3A_96 : i32
        %dma_start3A_98 = arith.constant 0 : i32
        %dma_start3A_99 = tpu.memref_slice %arg10[%add3A_97, %dma_start3A_98] : memref<40x128xi32, #tpu.memory_space<vmem>> -> memref<1x128xi32, #tpu.memory_space<vmem>>
        %dma_start3A_100 = tpu.memref_squeeze %dma_start3A_99 : memref<1x128xi32, #tpu.memory_space<vmem>> -> memref<128xi32, #tpu.memory_space<vmem>>
        %dma_start3A_101 = arith.constant 0 : i32
        %dma_start3A_102 = arith.constant 0 : i32
        %dma_start3A_103 = tpu.memref_slice %arg15[%dma_start3A_101, %dma_start3A_102] : memref<10240x64xf32, #tpu.memory_space<vmem_shared>> -> memref<10240x64xf32, #tpu.memory_space<vmem_shared>>
        tpu.enqueue_indirect_dma source(%dma_start3A_103 : memref<10240x64xf32, #tpu.memory_space<vmem_shared>>) target(%arg13 : memref<128x64xf32, #tpu.memory_space<vmem>>) offsets(%dma_start3A_100 : memref<128xi32, #tpu.memory_space<vmem>>) semaphore(%arg17 : memref<!tpu.dma_semaphore, #tpu.memory_space<semaphore_mem>>)
        %dma_start3A_104 = arith.constant 0 : i32
        %dma_start3A_105 = tpu.memref_slice %arg11[%mul3A_88, %dma_start3A_104] : memref<40x128xi32, #tpu.memory_space<vmem>> -> memref<1x128xi32, #tpu.memory_space<vmem>>
        %dma_start3A_106 = tpu.memref_squeeze %dma_start3A_105 : memref<1x128xi32, #tpu.memory_space<vmem>> -> memref<128xi32, #tpu.memory_space<vmem>>
        %dma_start3A_107 = arith.constant 0 : i32
        %dma_start3A_108 = arith.constant 0 : i32
        %dma_start3A_109 = tpu.memref_slice %arg14[%dma_start3A_107, %dma_start3A_108] : memref<10240x64xf32, #tpu.memory_space<vmem_shared>> -> memref<10240x64xf32, #tpu.memory_space<vmem_shared>>
        tpu.enqueue_indirect_dma source(%arg12 : memref<128x64xf32, #tpu.memory_space<vmem>>) target(%dma_start3A_109 : memref<10240x64xf32, #tpu.memory_space<vmem_shared>>) offsets(%dma_start3A_106 : memref<128xi32, #tpu.memory_space<vmem>>) semaphore(%arg18 : memref<!tpu.dma_semaphore, #tpu.memory_space<semaphore_mem>>) {add = true}
        %dma_wait3A_110 = arith.constant 0 : i32
        %dma_wait3A_111 = arith.constant 0 : i32
        %dma_wait3A_112 = tpu.memref_slice %arg10[%dma_wait3A_110, %dma_wait3A_111] : memref<40x128xi32, #tpu.memory_space<vmem>> -> memref<1x128xi32, #tpu.memory_space<vmem>>
        %dma_wait3A_113 = tpu.memref_squeeze %dma_wait3A_112 : memref<1x128xi32, #tpu.memory_space<vmem>> -> memref<128xi32, #tpu.memory_space<vmem>>
        %dma_wait3A_114 = arith.constant 0 : i32
        %dma_wait3A_115 = arith.constant 0 : i32
        %dma_wait3A_116 = tpu.memref_slice %arg15[%dma_wait3A_114, %dma_wait3A_115] : memref<10240x64xf32, #tpu.memory_space<vmem_shared>> -> memref<10240x64xf32, #tpu.memory_space<vmem_shared>>
        tpu.wait_indirect_dma semaphore(%arg17 : memref<!tpu.dma_semaphore, #tpu.memory_space<semaphore_mem>>) src(%dma_wait3A_116 : memref<10240x64xf32, #tpu.memory_space<vmem_shared>>) dst(%arg13 : memref<128x64xf32, #tpu.memory_space<vmem>>)
        %dma_wait3A_117 = arith.constant 0 : i32
        %dma_wait3A_118 = arith.constant 0 : i32
        %dma_wait3A_119 = tpu.memref_slice %arg11[%dma_wait3A_117, %dma_wait3A_118] : memref<40x128xi32, #tpu.memory_space<vmem>> -> memref<1x128xi32, #tpu.memory_space<vmem>>
        %dma_wait3A_120 = tpu.memref_squeeze %dma_wait3A_119 : memref<1x128xi32, #tpu.memory_space<vmem>> -> memref<128xi32, #tpu.memory_space<vmem>>
        %dma_wait3A_121 = arith.constant 0 : i32
        %dma_wait3A_122 = arith.constant 0 : i32
        %dma_wait3A_123 = tpu.memref_slice %arg14[%dma_wait3A_121, %dma_wait3A_122] : memref<10240x64xf32, #tpu.memory_space<vmem_shared>> -> memref<10240x64xf32, #tpu.memory_space<vmem_shared>>
        tpu.wait_indirect_dma semaphore(%arg18 : memref<!tpu.dma_semaphore, #tpu.memory_space<semaphore_mem>>) src(%arg12 : memref<128x64xf32, #tpu.memory_space<vmem>>) dst(%dma_wait3A_123 : memref<10240x64xf32, #tpu.memory_space<vmem_shared>>)
        %add3A_124 = arith.constant 2 : i32
        %add3A_125 = arith.addi %mul3A_88, %add3A_124 : i32
        %dma_start3A_126 = arith.constant 0 : i32
        %dma_start3A_127 = tpu.memref_slice %arg10[%add3A_125, %dma_start3A_126] : memref<40x128xi32, #tpu.memory_space<vmem>> -> memref<1x128xi32, #tpu.memory_space<vmem>>
        %dma_start3A_128 = tpu.memref_squeeze %dma_start3A_127 : memref<1x128xi32, #tpu.memory_space<vmem>> -> memref<128xi32, #tpu.memory_space<vmem>>
        %dma_start3A_129 = arith.constant 0 : i32
        %dma_start3A_130 = arith.constant 0 : i32
        %dma_start3A_131 = tpu.memref_slice %arg15[%dma_start3A_129, %dma_start3A_130] : memref<10240x64xf32, #tpu.memory_space<vmem_shared>> -> memref<10240x64xf32, #tpu.memory_space<vmem_shared>>
        tpu.enqueue_indirect_dma source(%dma_start3A_131 : memref<10240x64xf32, #tpu.memory_space<vmem_shared>>) target(%arg12 : memref<128x64xf32, #tpu.memory_space<vmem>>) offsets(%dma_start3A_128 : memref<128xi32, #tpu.memory_space<vmem>>) semaphore(%arg16 : memref<!tpu.dma_semaphore, #tpu.memory_space<semaphore_mem>>)
        %add3A_132 = arith.constant 1 : i32
        %add3A_133 = arith.addi %mul3A_88, %add3A_132 : i32
        %dma_start3A_134 = arith.constant 0 : i32
        %dma_start3A_135 = tpu.memref_slice %arg11[%add3A_133, %dma_start3A_134] : memref<40x128xi32, #tpu.memory_space<vmem>> -> memref<1x128xi32, #tpu.memory_space<vmem>>
        %dma_start3A_136 = tpu.memref_squeeze %dma_start3A_135 : memref<1x128xi32, #tpu.memory_space<vmem>> -> memref<128xi32, #tpu.memory_space<vmem>>
        %dma_start3A_137 = arith.constant 0 : i32
        %dma_start3A_138 = arith.constant 0 : i32
        %dma_start3A_139 = tpu.memref_slice %arg14[%dma_start3A_137, %dma_start3A_138] : memref<10240x64xf32, #tpu.memory_space<vmem_shared>> -> memref<10240x64xf32, #tpu.memory_space<vmem_shared>>
        tpu.enqueue_indirect_dma source(%arg13 : memref<128x64xf32, #tpu.memory_space<vmem>>) target(%dma_start3A_139 : memref<10240x64xf32, #tpu.memory_space<vmem_shared>>) offsets(%dma_start3A_136 : memref<128xi32, #tpu.memory_space<vmem>>) semaphore(%arg19 : memref<!tpu.dma_semaphore, #tpu.memory_space<semaphore_mem>>) {add = true}
        %dma_wait3A_140 = arith.constant 0 : i32
        %dma_wait3A_141 = arith.constant 0 : i32
        %dma_wait3A_142 = tpu.memref_slice %arg11[%dma_wait3A_140, %dma_wait3A_141] : memref<40x128xi32, #tpu.memory_space<vmem>> -> memref<1x128xi32, #tpu.memory_space<vmem>>
        %dma_wait3A_143 = tpu.memref_squeeze %dma_wait3A_142 : memref<1x128xi32, #tpu.memory_space<vmem>> -> memref<128xi32, #tpu.memory_space<vmem>>
        %dma_wait3A_144 = arith.constant 0 : i32
        %dma_wait3A_145 = arith.constant 0 : i32
        %dma_wait3A_146 = tpu.memref_slice %arg14[%dma_wait3A_144, %dma_wait3A_145] : memref<10240x64xf32, #tpu.memory_space<vmem_shared>> -> memref<10240x64xf32, #tpu.memory_space<vmem_shared>>
        tpu.wait_indirect_dma semaphore(%arg19 : memref<!tpu.dma_semaphore, #tpu.memory_space<semaphore_mem>>) src(%arg13 : memref<128x64xf32, #tpu.memory_space<vmem>>) dst(%dma_wait3A_146 : memref<10240x64xf32, #tpu.memory_space<vmem_shared>>)
      }
      %scan3A_51 = arith.constant 19 : i32
      %dma_wait3A = arith.constant 0 : i32
      %dma_wait3A_52 = arith.constant 0 : i32
      %dma_wait3A_53 = tpu.memref_slice %arg10[%dma_wait3A, %dma_wait3A_52] : memref<40x128xi32, #tpu.memory_space<vmem>> -> memref<1x128xi32, #tpu.memory_space<vmem>>
      %dma_wait3A_54 = tpu.memref_squeeze %dma_wait3A_53 : memref<1x128xi32, #tpu.memory_space<vmem>> -> memref<128xi32, #tpu.memory_space<vmem>>
      %dma_wait3A_55 = arith.constant 0 : i32
      %dma_wait3A_56 = arith.constant 0 : i32
      %dma_wait3A_57 = tpu.memref_slice %arg15[%dma_wait3A_55, %dma_wait3A_56] : memref<10240x64xf32, #tpu.memory_space<vmem_shared>> -> memref<10240x64xf32, #tpu.memory_space<vmem_shared>>
      tpu.wait_indirect_dma semaphore(%arg16 : memref<!tpu.dma_semaphore, #tpu.memory_space<semaphore_mem>>) src(%dma_wait3A_57 : memref<10240x64xf32, #tpu.memory_space<vmem_shared>>) dst(%arg12 : memref<128x64xf32, #tpu.memory_space<vmem>>)
      %dma_start3A_58 = arith.constant 39 : i32
      %dma_start3A_59 = arith.constant 0 : i32
      %dma_start3A_60 = tpu.memref_slice %arg10[%dma_start3A_58, %dma_start3A_59] : memref<40x128xi32, #tpu.memory_space<vmem>> -> memref<1x128xi32, #tpu.memory_space<vmem>>
      %dma_start3A_61 = tpu.memref_squeeze %dma_start3A_60 : memref<1x128xi32, #tpu.memory_space<vmem>> -> memref<128xi32, #tpu.memory_space<vmem>>
      %dma_start3A_62 = arith.constant 0 : i32
      %dma_start3A_63 = arith.constant 0 : i32
      %dma_start3A_64 = tpu.memref_slice %arg15[%dma_start3A_62, %dma_start3A_63] : memref<10240x64xf32, #tpu.memory_space<vmem_shared>> -> memref<10240x64xf32, #tpu.memory_space<vmem_shared>>
      tpu.enqueue_indirect_dma source(%dma_start3A_64 : memref<10240x64xf32, #tpu.memory_space<vmem_shared>>) target(%arg13 : memref<128x64xf32, #tpu.memory_space<vmem>>) offsets(%dma_start3A_61 : memref<128xi32, #tpu.memory_space<vmem>>) semaphore(%arg17 : memref<!tpu.dma_semaphore, #tpu.memory_space<semaphore_mem>>)
      %dma_start3A_65 = arith.constant 38 : i32
      %dma_start3A_66 = arith.constant 0 : i32
      %dma_start3A_67 = tpu.memref_slice %arg11[%dma_start3A_65, %dma_start3A_66] : memref<40x128xi32, #tpu.memory_space<vmem>> -> memref<1x128xi32, #tpu.memory_space<vmem>>
      %dma_start3A_68 = tpu.memref_squeeze %dma_start3A_67 : memref<1x128xi32, #tpu.memory_space<vmem>> -> memref<128xi32, #tpu.memory_space<vmem>>
      %dma_start3A_69 = arith.constant 0 : i32
      %dma_start3A_70 = arith.constant 0 : i32
      %dma_start3A_71 = tpu.memref_slice %arg14[%dma_start3A_69, %dma_start3A_70] : memref<10240x64xf32, #tpu.memory_space<vmem_shared>> -> memref<10240x64xf32, #tpu.memory_space<vmem_shared>>
      tpu.enqueue_indirect_dma source(%arg12 : memref<128x64xf32, #tpu.memory_space<vmem>>) target(%dma_start3A_71 : memref<10240x64xf32, #tpu.memory_space<vmem_shared>>) offsets(%dma_start3A_68 : memref<128xi32, #tpu.memory_space<vmem>>) semaphore(%arg18 : memref<!tpu.dma_semaphore, #tpu.memory_space<semaphore_mem>>) {add = true}
      %dma_wait3A_72 = arith.constant 0 : i32
      %dma_wait3A_73 = arith.constant 0 : i32
      %dma_wait3A_74 = tpu.memref_slice %arg10[%dma_wait3A_72, %dma_wait3A_73] : memref<40x128xi32, #tpu.memory_space<vmem>> -> memref<1x128xi32, #tpu.memory_space<vmem>>
      %dma_wait3A_75 = tpu.memref_squeeze %dma_wait3A_74 : memref<1x128xi32, #tpu.memory_space<vmem>> -> memref<128xi32, #tpu.memory_space<vmem>>
      %dma_wait3A_76 = arith.constant 0 : i32
      %dma_wait3A_77 = arith.constant 0 : i32
      %dma_wait3A_78 = tpu.memref_slice %arg15[%dma_wait3A_76, %dma_wait3A_77] : memref<10240x64xf32, #tpu.memory_space<vmem_shared>> -> memref<10240x64xf32, #tpu.memory_space<vmem_shared>>
      tpu.wait_indirect_dma semaphore(%arg17 : memref<!tpu.dma_semaphore, #tpu.memory_space<semaphore_mem>>) src(%dma_wait3A_78 : memref<10240x64xf32, #tpu.memory_space<vmem_shared>>) dst(%arg13 : memref<128x64xf32, #tpu.memory_space<vmem>>)
      %dma_wait3A_79 = arith.constant 0 : i32
      %dma_wait3A_80 = arith.constant 0 : i32
      %dma_wait3A_81 = tpu.memref_slice %arg11[%dma_wait3A_79, %dma_wait3A_80] : memref<40x128xi32, #tpu.memory_space<vmem>> -> memref<1x128xi32, #tpu.memory_space<vmem>>
      %dma_wait3A_82 = tpu.memref_squeeze %dma_wait3A_81 : memref<1x128xi32, #tpu.memory_space<vmem>> -> memref<128xi32, #tpu.memory_space<vmem>>
      %dma_wait3A_83 = arith.constant 0 : i32
      %dma_wait3A_84 = arith.constant 0 : i32
      %dma_wait3A_85 = tpu.memref_slice %arg14[%dma_wait3A_83, %dma_wait3A_84] : memref<10240x64xf32, #tpu.memory_space<vmem_shared>> -> memref<10240x64xf32, #tpu.memory_space<vmem_shared>>
      tpu.wait_indirect_dma semaphore(%arg18 : memref<!tpu.dma_semaphore, #tpu.memory_space<semaphore_mem>>) src(%arg12 : memref<128x64xf32, #tpu.memory_space<vmem>>) dst(%dma_wait3A_85 : memref<10240x64xf32, #tpu.memory_space<vmem_shared>>)
      %run_scoped3A = arith.constant 39 : i32
      "tpu.region"() ({
        %run_scoped3A_86 = tpu.sem_alloc : memref<!tpu.dma_semaphore, #tpu.memory_space<semaphore_mem>>
        %dma_start3A_87 = arith.constant 0 : i32
        %dma_start3A_88 = tpu.memref_slice %arg11[%run_scoped3A, %dma_start3A_87] : memref<40x128xi32, #tpu.memory_space<vmem>> -> memref<1x128xi32, #tpu.memory_space<vmem>>
        %dma_start3A_89 = tpu.memref_squeeze %dma_start3A_88 : memref<1x128xi32, #tpu.memory_space<vmem>> -> memref<128xi32, #tpu.memory_space<vmem>>
        %dma_start3A_90 = arith.constant 0 : i32
        %dma_start3A_91 = arith.constant 0 : i32
        %dma_start3A_92 = tpu.memref_slice %arg14[%dma_start3A_90, %dma_start3A_91] : memref<10240x64xf32, #tpu.memory_space<vmem_shared>> -> memref<10240x64xf32, #tpu.memory_space<vmem_shared>>
        tpu.enqueue_indirect_dma source(%arg13 : memref<128x64xf32, #tpu.memory_space<vmem>>) target(%dma_start3A_92 : memref<10240x64xf32, #tpu.memory_space<vmem_shared>>) offsets(%dma_start3A_89 : memref<128xi32, #tpu.memory_space<vmem>>) semaphore(%run_scoped3A_86 : memref<!tpu.dma_semaphore, #tpu.memory_space<semaphore_mem>>) {add = true}
        %dma_wait3A_93 = arith.constant 0 : i32
        %dma_wait3A_94 = tpu.memref_slice %arg11[%run_scoped3A, %dma_wait3A_93] : memref<40x128xi32, #tpu.memory_space<vmem>> -> memref<1x128xi32, #tpu.memory_space<vmem>>
        %dma_wait3A_95 = tpu.memref_squeeze %dma_wait3A_94 : memref<1x128xi32, #tpu.memory_space<vmem>> -> memref<128xi32, #tpu.memory_space<vmem>>
        %dma_wait3A_96 = arith.constant 0 : i32
        %dma_wait3A_97 = arith.constant 0 : i32
        %dma_wait3A_98 = tpu.memref_slice %arg14[%dma_wait3A_96, %dma_wait3A_97] : memref<10240x64xf32, #tpu.memory_space<vmem_shared>> -> memref<10240x64xf32, #tpu.memory_space<vmem_shared>>
        tpu.wait_indirect_dma semaphore(%run_scoped3A_86 : memref<!tpu.dma_semaphore, #tpu.memory_space<semaphore_mem>>) src(%arg13 : memref<128x64xf32, #tpu.memory_space<vmem>>) dst(%dma_wait3A_98 : memref<10240x64xf32, #tpu.memory_space<vmem_shared>>)
        tpu.yield
      }) : () -> ()
    }
    %scan3A_7 = arith.constant 2 : i32
    %barrier3A_8 = arith.constant 0 : index
    tpu.barrier barrier_id(%barrier3A_8)
    %eq3A = arith.constant 0 : i32
    %eq3A_9 = arith.cmpi eq, %arg0, %eq3A : i32
    %convert_element_type3A = arith.extui %eq3A_9 : i1 to i32
    %cond3A = arith.constant 0 : i32
    %cond3A_10 = arith.cmpi ne, %convert_element_type3A, %cond3A : i32
    scf.if %cond3A_10 {
      "tpu.region"() ({
        %run_scoped3A = tpu.sem_alloc : memref<!tpu.dma_semaphore, #tpu.memory_space<semaphore_mem>>
        %dma_start3A = arith.constant 0 : i32
        %dma_start3A_34 = tpu.memref_slice %arg6[%mul3A_2, %dma_start3A] : memref<10240x64xf32, #tpu.memory_space<hbm>> -> memref<640x64xf32, #tpu.memory_space<hbm>>
        %dma_start3A_35 = arith.constant 0 : i32
        %dma_start3A_36 = tpu.memref_slice %arg14[%mul3A_2, %dma_start3A_35] : memref<10240x64xf32, #tpu.memory_space<vmem_shared>> -> memref<640x64xf32, #tpu.memory_space<vmem_shared>>
        tpu.enqueue_dma source(%dma_start3A_36 : memref<640x64xf32, #tpu.memory_space<vmem_shared>>) target(%dma_start3A_34 : memref<640x64xf32, #tpu.memory_space<hbm>>) target_semaphore(%run_scoped3A : memref<!tpu.dma_semaphore, #tpu.memory_space<semaphore_mem>>)
        %dma_wait3A = arith.constant 0 : i32
        %dma_wait3A_37 = tpu.memref_slice %arg6[%mul3A_2, %dma_wait3A] : memref<10240x64xf32, #tpu.memory_space<hbm>> -> memref<640x64xf32, #tpu.memory_space<hbm>>
        %dma_wait3A_38 = arith.constant 0 : i32
        %dma_wait3A_39 = tpu.memref_slice %arg14[%mul3A_2, %dma_wait3A_38] : memref<10240x64xf32, #tpu.memory_space<vmem_shared>> -> memref<640x64xf32, #tpu.memory_space<vmem_shared>>
        tpu.wait_dma2 semaphore(%run_scoped3A : memref<!tpu.dma_semaphore, #tpu.memory_space<semaphore_mem>>) src(%dma_wait3A_39 : memref<640x64xf32, #tpu.memory_space<vmem_shared>>) dst(%dma_wait3A_37 : memref<640x64xf32, #tpu.memory_space<hbm>>)
        tpu.yield
      }) : () -> ()
    } else {
    }
    %eq3A_11 = arith.constant 1 : i32
    %eq3A_12 = arith.cmpi eq, %arg0, %eq3A_11 : i32
    %convert_element_type3A_13 = arith.extui %eq3A_12 : i1 to i32
    %cond3A_14 = arith.constant 0 : i32
    %cond3A_15 = arith.cmpi ne, %convert_element_type3A_13, %cond3A_14 : i32
    scf.if %cond3A_15 {
      "tpu.region"() ({
        %run_scoped3A = tpu.sem_alloc : memref<!tpu.dma_semaphore, #tpu.memory_space<semaphore_mem>>
        %dma_start3A = arith.constant 0 : i32
        %dma_start3A_34 = tpu.memref_slice %arg7[%mul3A_2, %dma_start3A] : memref<10240x64xf32, #tpu.memory_space<hbm>> -> memref<640x64xf32, #tpu.memory_space<hbm>>
        %dma_start3A_35 = arith.constant 0 : i32
        %dma_start3A_36 = tpu.memref_slice %arg14[%mul3A_2, %dma_start3A_35] : memref<10240x64xf32, #tpu.memory_space<vmem_shared>> -> memref<640x64xf32, #tpu.memory_space<vmem_shared>>
        tpu.enqueue_dma source(%dma_start3A_36 : memref<640x64xf32, #tpu.memory_space<vmem_shared>>) target(%dma_start3A_34 : memref<640x64xf32, #tpu.memory_space<hbm>>) target_semaphore(%run_scoped3A : memref<!tpu.dma_semaphore, #tpu.memory_space<semaphore_mem>>)
        %dma_wait3A = arith.constant 0 : i32
        %dma_wait3A_37 = tpu.memref_slice %arg7[%mul3A_2, %dma_wait3A] : memref<10240x64xf32, #tpu.memory_space<hbm>> -> memref<640x64xf32, #tpu.memory_space<hbm>>
        %dma_wait3A_38 = arith.constant 0 : i32
        %dma_wait3A_39 = tpu.memref_slice %arg14[%mul3A_2, %dma_wait3A_38] : memref<10240x64xf32, #tpu.memory_space<vmem_shared>> -> memref<640x64xf32, #tpu.memory_space<vmem_shared>>
        tpu.wait_dma2 semaphore(%run_scoped3A : memref<!tpu.dma_semaphore, #tpu.memory_space<semaphore_mem>>) src(%dma_wait3A_39 : memref<640x64xf32, #tpu.memory_space<vmem_shared>>) dst(%dma_wait3A_37 : memref<640x64xf32, #tpu.memory_space<hbm>>)
        tpu.yield
      }) : () -> ()
    } else {
    }
    "tpu.region"() ({
      %run_scoped3A = tpu.sem_alloc : memref<!tpu.dma_semaphore, #tpu.memory_space<semaphore_mem>>
      %dma_start3A = arith.constant 0 : i32
      %dma_start3A_34 = tpu.memref_slice %arg14[%mul3A_2, %dma_start3A] : memref<10240x64xf32, #tpu.memory_space<vmem_shared>> -> memref<640x64xf32, #tpu.memory_space<vmem_shared>>
      %dma_start3A_35 = arith.constant 0 : i32
      %dma_start3A_36 = tpu.memref_slice %arg3[%mul3A_2, %dma_start3A_35] : memref<10240x64xf32, #tpu.memory_space<hbm>> -> memref<640x64xf32, #tpu.memory_space<hbm>>
      tpu.enqueue_dma source(%dma_start3A_36 : memref<640x64xf32, #tpu.memory_space<hbm>>) target(%dma_start3A_34 : memref<640x64xf32, #tpu.memory_space<vmem_shared>>) target_semaphore(%run_scoped3A : memref<!tpu.dma_semaphore, #tpu.memory_space<semaphore_mem>>)
      %dma_wait3A = arith.constant 0 : i32
      %dma_wait3A_37 = tpu.memref_slice %arg14[%mul3A_2, %dma_wait3A] : memref<10240x64xf32, #tpu.memory_space<vmem_shared>> -> memref<640x64xf32, #tpu.memory_space<vmem_shared>>
      %dma_wait3A_38 = arith.constant 0 : i32
      %dma_wait3A_39 = tpu.memref_slice %arg3[%mul3A_2, %dma_wait3A_38] : memref<10240x64xf32, #tpu.memory_space<hbm>> -> memref<640x64xf32, #tpu.memory_space<hbm>>
      tpu.wait_dma2 semaphore(%run_scoped3A : memref<!tpu.dma_semaphore, #tpu.memory_space<semaphore_mem>>) src(%dma_wait3A_39 : memref<640x64xf32, #tpu.memory_space<hbm>>) dst(%dma_wait3A_37 : memref<640x64xf32, #tpu.memory_space<vmem_shared>>)
      tpu.yield
    }) : () -> ()
    "tpu.region"() ({
      %run_scoped3A = tpu.sem_alloc : memref<!tpu.dma_semaphore, #tpu.memory_space<semaphore_mem>>
      %dma_start3A = arith.constant 0 : i32
      %dma_start3A_34 = tpu.memref_slice %arg15[%mul3A_2, %dma_start3A] : memref<10240x64xf32, #tpu.memory_space<vmem_shared>> -> memref<640x64xf32, #tpu.memory_space<vmem_shared>>
      %dma_start3A_35 = arith.constant 0 : i32
      %dma_start3A_36 = tpu.memref_slice %arg3[%mul3A_2, %dma_start3A_35] : memref<10240x64xf32, #tpu.memory_space<hbm>> -> memref<640x64xf32, #tpu.memory_space<hbm>>
      tpu.enqueue_dma source(%dma_start3A_36 : memref<640x64xf32, #tpu.memory_space<hbm>>) target(%dma_start3A_34 : memref<640x64xf32, #tpu.memory_space<vmem_shared>>) target_semaphore(%run_scoped3A : memref<!tpu.dma_semaphore, #tpu.memory_space<semaphore_mem>>)
      %dma_wait3A = arith.constant 0 : i32
      %dma_wait3A_37 = tpu.memref_slice %arg15[%mul3A_2, %dma_wait3A] : memref<10240x64xf32, #tpu.memory_space<vmem_shared>> -> memref<640x64xf32, #tpu.memory_space<vmem_shared>>
      %dma_wait3A_38 = arith.constant 0 : i32
      %dma_wait3A_39 = tpu.memref_slice %arg3[%mul3A_2, %dma_wait3A_38] : memref<10240x64xf32, #tpu.memory_space<hbm>> -> memref<640x64xf32, #tpu.memory_space<hbm>>
      tpu.wait_dma2 semaphore(%run_scoped3A : memref<!tpu.dma_semaphore, #tpu.memory_space<semaphore_mem>>) src(%dma_wait3A_39 : memref<640x64xf32, #tpu.memory_space<hbm>>) dst(%dma_wait3A_37 : memref<640x64xf32, #tpu.memory_space<vmem_shared>>)
      tpu.yield
    }) : () -> ()
    %barrier3A_16 = arith.constant 0 : index
    tpu.barrier barrier_id(%barrier3A_16)
    %scan3A_17 = arith.constant 0 : i32
    %scan3A_18 = arith.constant 0 : i32
    %scan3A_19 = arith.constant 2 : i32
    %scan3A_20 = arith.addi %scan3A_18, %scan3A_19 : i32
    %scan3A_21 = arith.constant 1 : i32
    scf.for %scan3A_34 = %scan3A_18 to %scan3A_20 step %scan3A_21  : i32 {
      %mul3A_35 = arith.constant 80 : i32
      %mul3A_36 = arith.muli %add3A, %mul3A_35 : i32
      %mul3A_37 = arith.constant 40 : i32
      %mul3A_38 = arith.muli %scan3A_34, %mul3A_37 : i32
      %add3A_39 = arith.addi %mul3A_36, %mul3A_38 : i32
      "tpu.region"() ({
        %run_scoped3A_86 = tpu.sem_alloc : memref<!tpu.dma_semaphore, #tpu.memory_space<semaphore_mem>>
        %dma_start3A_87 = arith.constant 0 : i32
        %dma_start3A_88 = tpu.memref_slice %arg4[%add3A_39, %dma_start3A_87] : memref<2560x128xi32, #tpu.memory_space<hbm>> -> memref<40x128xi32, #tpu.memory_space<hbm>>
        %dma_start3A_89 = arith.constant 0 : i32
        %dma_start3A_90 = tpu.memref_slice %arg4[%add3A_39, %dma_start3A_89] : memref<2560x128xi32, #tpu.memory_space<hbm>> -> memref<40x128xi32, #tpu.memory_space<hbm>>
        tpu.enqueue_dma source(%dma_start3A_90 : memref<40x128xi32, #tpu.memory_space<hbm>>) target(%arg10 : memref<40x128xi32, #tpu.memory_space<vmem>>) target_semaphore(%run_scoped3A_86 : memref<!tpu.dma_semaphore, #tpu.memory_space<semaphore_mem>>)
        %dma_wait3A_91 = arith.constant 0 : i32
        %dma_wait3A_92 = tpu.memref_slice %arg4[%add3A_39, %dma_wait3A_91] : memref<2560x128xi32, #tpu.memory_space<hbm>> -> memref<40x128xi32, #tpu.memory_space<hbm>>
        %dma_wait3A_93 = arith.constant 0 : i32
        %dma_wait3A_94 = tpu.memref_slice %arg4[%add3A_39, %dma_wait3A_93] : memref<2560x128xi32, #tpu.memory_space<hbm>> -> memref<40x128xi32, #tpu.memory_space<hbm>>
        tpu.wait_dma2 semaphore(%run_scoped3A_86 : memref<!tpu.dma_semaphore, #tpu.memory_space<semaphore_mem>>) src(%dma_wait3A_94 : memref<40x128xi32, #tpu.memory_space<hbm>>) dst(%arg10 : memref<40x128xi32, #tpu.memory_space<vmem>>)
        tpu.yield
      }) : () -> ()
      "tpu.region"() ({
        %run_scoped3A_86 = tpu.sem_alloc : memref<!tpu.dma_semaphore, #tpu.memory_space<semaphore_mem>>
        %dma_start3A_87 = arith.constant 0 : i32
        %dma_start3A_88 = tpu.memref_slice %arg5[%add3A_39, %dma_start3A_87] : memref<2560x128xi32, #tpu.memory_space<hbm>> -> memref<40x128xi32, #tpu.memory_space<hbm>>
        %dma_start3A_89 = arith.constant 0 : i32
        %dma_start3A_90 = tpu.memref_slice %arg5[%add3A_39, %dma_start3A_89] : memref<2560x128xi32, #tpu.memory_space<hbm>> -> memref<40x128xi32, #tpu.memory_space<hbm>>
        tpu.enqueue_dma source(%dma_start3A_90 : memref<40x128xi32, #tpu.memory_space<hbm>>) target(%arg11 : memref<40x128xi32, #tpu.memory_space<vmem>>) target_semaphore(%run_scoped3A_86 : memref<!tpu.dma_semaphore, #tpu.memory_space<semaphore_mem>>)
        %dma_wait3A_91 = arith.constant 0 : i32
        %dma_wait3A_92 = tpu.memref_slice %arg5[%add3A_39, %dma_wait3A_91] : memref<2560x128xi32, #tpu.memory_space<hbm>> -> memref<40x128xi32, #tpu.memory_space<hbm>>
        %dma_wait3A_93 = arith.constant 0 : i32
        %dma_wait3A_94 = tpu.memref_slice %arg5[%add3A_39, %dma_wait3A_93] : memref<2560x128xi32, #tpu.memory_space<hbm>> -> memref<40x128xi32, #tpu.memory_space<hbm>>
        tpu.wait_dma2 semaphore(%run_scoped3A_86 : memref<!tpu.dma_semaphore, #tpu.memory_space<semaphore_mem>>) src(%dma_wait3A_94 : memref<40x128xi32, #tpu.memory_space<hbm>>) dst(%arg11 : memref<40x128xi32, #tpu.memory_space<vmem>>)
        tpu.yield
      }) : () -> ()
      %dma_start3A = arith.constant 0 : i32
      %dma_start3A_40 = arith.constant 0 : i32
      %dma_start3A_41 = tpu.memref_slice %arg10[%dma_start3A, %dma_start3A_40] : memref<40x128xi32, #tpu.memory_space<vmem>> -> memref<1x128xi32, #tpu.memory_space<vmem>>
      %dma_start3A_42 = tpu.memref_squeeze %dma_start3A_41 : memref<1x128xi32, #tpu.memory_space<vmem>> -> memref<128xi32, #tpu.memory_space<vmem>>
      %dma_start3A_43 = arith.constant 0 : i32
      %dma_start3A_44 = arith.constant 0 : i32
      %dma_start3A_45 = tpu.memref_slice %arg15[%dma_start3A_43, %dma_start3A_44] : memref<10240x64xf32, #tpu.memory_space<vmem_shared>> -> memref<10240x64xf32, #tpu.memory_space<vmem_shared>>
      tpu.enqueue_indirect_dma source(%dma_start3A_45 : memref<10240x64xf32, #tpu.memory_space<vmem_shared>>) target(%arg12 : memref<128x64xf32, #tpu.memory_space<vmem>>) offsets(%dma_start3A_42 : memref<128xi32, #tpu.memory_space<vmem>>) semaphore(%arg16 : memref<!tpu.dma_semaphore, #tpu.memory_space<semaphore_mem>>)
      %scan3A_46 = arith.constant 0 : i32
      %scan3A_47 = arith.constant 0 : i32
      %scan3A_48 = arith.constant 19 : i32
      %scan3A_49 = arith.addi %scan3A_47, %scan3A_48 : i32
      %scan3A_50 = arith.constant 1 : i32
      scf.for %scan3A_86 = %scan3A_47 to %scan3A_49 step %scan3A_50  : i32 {
        %mul3A_87 = arith.constant 2 : i32
        %mul3A_88 = arith.muli %scan3A_86, %mul3A_87 : i32
        %dma_wait3A_89 = arith.constant 0 : i32
        %dma_wait3A_90 = arith.constant 0 : i32
        %dma_wait3A_91 = tpu.memref_slice %arg10[%dma_wait3A_89, %dma_wait3A_90] : memref<40x128xi32, #tpu.memory_space<vmem>> -> memref<1x128xi32, #tpu.memory_space<vmem>>
        %dma_wait3A_92 = tpu.memref_squeeze %dma_wait3A_91 : memref<1x128xi32, #tpu.memory_space<vmem>> -> memref<128xi32, #tpu.memory_space<vmem>>
        %dma_wait3A_93 = arith.constant 0 : i32
        %dma_wait3A_94 = arith.constant 0 : i32
        %dma_wait3A_95 = tpu.memref_slice %arg15[%dma_wait3A_93, %dma_wait3A_94] : memref<10240x64xf32, #tpu.memory_space<vmem_shared>> -> memref<10240x64xf32, #tpu.memory_space<vmem_shared>>
        tpu.wait_indirect_dma semaphore(%arg16 : memref<!tpu.dma_semaphore, #tpu.memory_space<semaphore_mem>>) src(%dma_wait3A_95 : memref<10240x64xf32, #tpu.memory_space<vmem_shared>>) dst(%arg12 : memref<128x64xf32, #tpu.memory_space<vmem>>)
        %add3A_96 = arith.constant 1 : i32
        %add3A_97 = arith.addi %mul3A_88, %add3A_96 : i32
        %dma_start3A_98 = arith.constant 0 : i32
        %dma_start3A_99 = tpu.memref_slice %arg10[%add3A_97, %dma_start3A_98] : memref<40x128xi32, #tpu.memory_space<vmem>> -> memref<1x128xi32, #tpu.memory_space<vmem>>
        %dma_start3A_100 = tpu.memref_squeeze %dma_start3A_99 : memref<1x128xi32, #tpu.memory_space<vmem>> -> memref<128xi32, #tpu.memory_space<vmem>>
        %dma_start3A_101 = arith.constant 0 : i32
        %dma_start3A_102 = arith.constant 0 : i32
        %dma_start3A_103 = tpu.memref_slice %arg15[%dma_start3A_101, %dma_start3A_102] : memref<10240x64xf32, #tpu.memory_space<vmem_shared>> -> memref<10240x64xf32, #tpu.memory_space<vmem_shared>>
        tpu.enqueue_indirect_dma source(%dma_start3A_103 : memref<10240x64xf32, #tpu.memory_space<vmem_shared>>) target(%arg13 : memref<128x64xf32, #tpu.memory_space<vmem>>) offsets(%dma_start3A_100 : memref<128xi32, #tpu.memory_space<vmem>>) semaphore(%arg17 : memref<!tpu.dma_semaphore, #tpu.memory_space<semaphore_mem>>)
        %dma_start3A_104 = arith.constant 0 : i32
        %dma_start3A_105 = tpu.memref_slice %arg11[%mul3A_88, %dma_start3A_104] : memref<40x128xi32, #tpu.memory_space<vmem>> -> memref<1x128xi32, #tpu.memory_space<vmem>>
        %dma_start3A_106 = tpu.memref_squeeze %dma_start3A_105 : memref<1x128xi32, #tpu.memory_space<vmem>> -> memref<128xi32, #tpu.memory_space<vmem>>
        %dma_start3A_107 = arith.constant 0 : i32
        %dma_start3A_108 = arith.constant 0 : i32
        %dma_start3A_109 = tpu.memref_slice %arg14[%dma_start3A_107, %dma_start3A_108] : memref<10240x64xf32, #tpu.memory_space<vmem_shared>> -> memref<10240x64xf32, #tpu.memory_space<vmem_shared>>
        tpu.enqueue_indirect_dma source(%arg12 : memref<128x64xf32, #tpu.memory_space<vmem>>) target(%dma_start3A_109 : memref<10240x64xf32, #tpu.memory_space<vmem_shared>>) offsets(%dma_start3A_106 : memref<128xi32, #tpu.memory_space<vmem>>) semaphore(%arg18 : memref<!tpu.dma_semaphore, #tpu.memory_space<semaphore_mem>>) {add = true}
        %dma_wait3A_110 = arith.constant 0 : i32
        %dma_wait3A_111 = arith.constant 0 : i32
        %dma_wait3A_112 = tpu.memref_slice %arg10[%dma_wait3A_110, %dma_wait3A_111] : memref<40x128xi32, #tpu.memory_space<vmem>> -> memref<1x128xi32, #tpu.memory_space<vmem>>
        %dma_wait3A_113 = tpu.memref_squeeze %dma_wait3A_112 : memref<1x128xi32, #tpu.memory_space<vmem>> -> memref<128xi32, #tpu.memory_space<vmem>>
        %dma_wait3A_114 = arith.constant 0 : i32
        %dma_wait3A_115 = arith.constant 0 : i32
        %dma_wait3A_116 = tpu.memref_slice %arg15[%dma_wait3A_114, %dma_wait3A_115] : memref<10240x64xf32, #tpu.memory_space<vmem_shared>> -> memref<10240x64xf32, #tpu.memory_space<vmem_shared>>
        tpu.wait_indirect_dma semaphore(%arg17 : memref<!tpu.dma_semaphore, #tpu.memory_space<semaphore_mem>>) src(%dma_wait3A_116 : memref<10240x64xf32, #tpu.memory_space<vmem_shared>>) dst(%arg13 : memref<128x64xf32, #tpu.memory_space<vmem>>)
        %dma_wait3A_117 = arith.constant 0 : i32
        %dma_wait3A_118 = arith.constant 0 : i32
        %dma_wait3A_119 = tpu.memref_slice %arg11[%dma_wait3A_117, %dma_wait3A_118] : memref<40x128xi32, #tpu.memory_space<vmem>> -> memref<1x128xi32, #tpu.memory_space<vmem>>
        %dma_wait3A_120 = tpu.memref_squeeze %dma_wait3A_119 : memref<1x128xi32, #tpu.memory_space<vmem>> -> memref<128xi32, #tpu.memory_space<vmem>>
        %dma_wait3A_121 = arith.constant 0 : i32
        %dma_wait3A_122 = arith.constant 0 : i32
        %dma_wait3A_123 = tpu.memref_slice %arg14[%dma_wait3A_121, %dma_wait3A_122] : memref<10240x64xf32, #tpu.memory_space<vmem_shared>> -> memref<10240x64xf32, #tpu.memory_space<vmem_shared>>
        tpu.wait_indirect_dma semaphore(%arg18 : memref<!tpu.dma_semaphore, #tpu.memory_space<semaphore_mem>>) src(%arg12 : memref<128x64xf32, #tpu.memory_space<vmem>>) dst(%dma_wait3A_123 : memref<10240x64xf32, #tpu.memory_space<vmem_shared>>)
        %add3A_124 = arith.constant 2 : i32
        %add3A_125 = arith.addi %mul3A_88, %add3A_124 : i32
        %dma_start3A_126 = arith.constant 0 : i32
        %dma_start3A_127 = tpu.memref_slice %arg10[%add3A_125, %dma_start3A_126] : memref<40x128xi32, #tpu.memory_space<vmem>> -> memref<1x128xi32, #tpu.memory_space<vmem>>
        %dma_start3A_128 = tpu.memref_squeeze %dma_start3A_127 : memref<1x128xi32, #tpu.memory_space<vmem>> -> memref<128xi32, #tpu.memory_space<vmem>>
        %dma_start3A_129 = arith.constant 0 : i32
        %dma_start3A_130 = arith.constant 0 : i32
        %dma_start3A_131 = tpu.memref_slice %arg15[%dma_start3A_129, %dma_start3A_130] : memref<10240x64xf32, #tpu.memory_space<vmem_shared>> -> memref<10240x64xf32, #tpu.memory_space<vmem_shared>>
        tpu.enqueue_indirect_dma source(%dma_start3A_131 : memref<10240x64xf32, #tpu.memory_space<vmem_shared>>) target(%arg12 : memref<128x64xf32, #tpu.memory_space<vmem>>) offsets(%dma_start3A_128 : memref<128xi32, #tpu.memory_space<vmem>>) semaphore(%arg16 : memref<!tpu.dma_semaphore, #tpu.memory_space<semaphore_mem>>)
        %add3A_132 = arith.constant 1 : i32
        %add3A_133 = arith.addi %mul3A_88, %add3A_132 : i32
        %dma_start3A_134 = arith.constant 0 : i32
        %dma_start3A_135 = tpu.memref_slice %arg11[%add3A_133, %dma_start3A_134] : memref<40x128xi32, #tpu.memory_space<vmem>> -> memref<1x128xi32, #tpu.memory_space<vmem>>
        %dma_start3A_136 = tpu.memref_squeeze %dma_start3A_135 : memref<1x128xi32, #tpu.memory_space<vmem>> -> memref<128xi32, #tpu.memory_space<vmem>>
        %dma_start3A_137 = arith.constant 0 : i32
        %dma_start3A_138 = arith.constant 0 : i32
        %dma_start3A_139 = tpu.memref_slice %arg14[%dma_start3A_137, %dma_start3A_138] : memref<10240x64xf32, #tpu.memory_space<vmem_shared>> -> memref<10240x64xf32, #tpu.memory_space<vmem_shared>>
        tpu.enqueue_indirect_dma source(%arg13 : memref<128x64xf32, #tpu.memory_space<vmem>>) target(%dma_start3A_139 : memref<10240x64xf32, #tpu.memory_space<vmem_shared>>) offsets(%dma_start3A_136 : memref<128xi32, #tpu.memory_space<vmem>>) semaphore(%arg19 : memref<!tpu.dma_semaphore, #tpu.memory_space<semaphore_mem>>) {add = true}
        %dma_wait3A_140 = arith.constant 0 : i32
        %dma_wait3A_141 = arith.constant 0 : i32
        %dma_wait3A_142 = tpu.memref_slice %arg11[%dma_wait3A_140, %dma_wait3A_141] : memref<40x128xi32, #tpu.memory_space<vmem>> -> memref<1x128xi32, #tpu.memory_space<vmem>>
        %dma_wait3A_143 = tpu.memref_squeeze %dma_wait3A_142 : memref<1x128xi32, #tpu.memory_space<vmem>> -> memref<128xi32, #tpu.memory_space<vmem>>
        %dma_wait3A_144 = arith.constant 0 : i32
        %dma_wait3A_145 = arith.constant 0 : i32
        %dma_wait3A_146 = tpu.memref_slice %arg14[%dma_wait3A_144, %dma_wait3A_145] : memref<10240x64xf32, #tpu.memory_space<vmem_shared>> -> memref<10240x64xf32, #tpu.memory_space<vmem_shared>>
        tpu.wait_indirect_dma semaphore(%arg19 : memref<!tpu.dma_semaphore, #tpu.memory_space<semaphore_mem>>) src(%arg13 : memref<128x64xf32, #tpu.memory_space<vmem>>) dst(%dma_wait3A_146 : memref<10240x64xf32, #tpu.memory_space<vmem_shared>>)
      }
      %scan3A_51 = arith.constant 19 : i32
      %dma_wait3A = arith.constant 0 : i32
      %dma_wait3A_52 = arith.constant 0 : i32
      %dma_wait3A_53 = tpu.memref_slice %arg10[%dma_wait3A, %dma_wait3A_52] : memref<40x128xi32, #tpu.memory_space<vmem>> -> memref<1x128xi32, #tpu.memory_space<vmem>>
      %dma_wait3A_54 = tpu.memref_squeeze %dma_wait3A_53 : memref<1x128xi32, #tpu.memory_space<vmem>> -> memref<128xi32, #tpu.memory_space<vmem>>
      %dma_wait3A_55 = arith.constant 0 : i32
      %dma_wait3A_56 = arith.constant 0 : i32
      %dma_wait3A_57 = tpu.memref_slice %arg15[%dma_wait3A_55, %dma_wait3A_56] : memref<10240x64xf32, #tpu.memory_space<vmem_shared>> -> memref<10240x64xf32, #tpu.memory_space<vmem_shared>>
      tpu.wait_indirect_dma semaphore(%arg16 : memref<!tpu.dma_semaphore, #tpu.memory_space<semaphore_mem>>) src(%dma_wait3A_57 : memref<10240x64xf32, #tpu.memory_space<vmem_shared>>) dst(%arg12 : memref<128x64xf32, #tpu.memory_space<vmem>>)
      %dma_start3A_58 = arith.constant 39 : i32
      %dma_start3A_59 = arith.constant 0 : i32
      %dma_start3A_60 = tpu.memref_slice %arg10[%dma_start3A_58, %dma_start3A_59] : memref<40x128xi32, #tpu.memory_space<vmem>> -> memref<1x128xi32, #tpu.memory_space<vmem>>
      %dma_start3A_61 = tpu.memref_squeeze %dma_start3A_60 : memref<1x128xi32, #tpu.memory_space<vmem>> -> memref<128xi32, #tpu.memory_space<vmem>>
      %dma_start3A_62 = arith.constant 0 : i32
      %dma_start3A_63 = arith.constant 0 : i32
      %dma_start3A_64 = tpu.memref_slice %arg15[%dma_start3A_62, %dma_start3A_63] : memref<10240x64xf32, #tpu.memory_space<vmem_shared>> -> memref<10240x64xf32, #tpu.memory_space<vmem_shared>>
      tpu.enqueue_indirect_dma source(%dma_start3A_64 : memref<10240x64xf32, #tpu.memory_space<vmem_shared>>) target(%arg13 : memref<128x64xf32, #tpu.memory_space<vmem>>) offsets(%dma_start3A_61 : memref<128xi32, #tpu.memory_space<vmem>>) semaphore(%arg17 : memref<!tpu.dma_semaphore, #tpu.memory_space<semaphore_mem>>)
      %dma_start3A_65 = arith.constant 38 : i32
      %dma_start3A_66 = arith.constant 0 : i32
      %dma_start3A_67 = tpu.memref_slice %arg11[%dma_start3A_65, %dma_start3A_66] : memref<40x128xi32, #tpu.memory_space<vmem>> -> memref<1x128xi32, #tpu.memory_space<vmem>>
      %dma_start3A_68 = tpu.memref_squeeze %dma_start3A_67 : memref<1x128xi32, #tpu.memory_space<vmem>> -> memref<128xi32, #tpu.memory_space<vmem>>
      %dma_start3A_69 = arith.constant 0 : i32
      %dma_start3A_70 = arith.constant 0 : i32
      %dma_start3A_71 = tpu.memref_slice %arg14[%dma_start3A_69, %dma_start3A_70] : memref<10240x64xf32, #tpu.memory_space<vmem_shared>> -> memref<10240x64xf32, #tpu.memory_space<vmem_shared>>
      tpu.enqueue_indirect_dma source(%arg12 : memref<128x64xf32, #tpu.memory_space<vmem>>) target(%dma_start3A_71 : memref<10240x64xf32, #tpu.memory_space<vmem_shared>>) offsets(%dma_start3A_68 : memref<128xi32, #tpu.memory_space<vmem>>) semaphore(%arg18 : memref<!tpu.dma_semaphore, #tpu.memory_space<semaphore_mem>>) {add = true}
      %dma_wait3A_72 = arith.constant 0 : i32
      %dma_wait3A_73 = arith.constant 0 : i32
      %dma_wait3A_74 = tpu.memref_slice %arg10[%dma_wait3A_72, %dma_wait3A_73] : memref<40x128xi32, #tpu.memory_space<vmem>> -> memref<1x128xi32, #tpu.memory_space<vmem>>
      %dma_wait3A_75 = tpu.memref_squeeze %dma_wait3A_74 : memref<1x128xi32, #tpu.memory_space<vmem>> -> memref<128xi32, #tpu.memory_space<vmem>>
      %dma_wait3A_76 = arith.constant 0 : i32
      %dma_wait3A_77 = arith.constant 0 : i32
      %dma_wait3A_78 = tpu.memref_slice %arg15[%dma_wait3A_76, %dma_wait3A_77] : memref<10240x64xf32, #tpu.memory_space<vmem_shared>> -> memref<10240x64xf32, #tpu.memory_space<vmem_shared>>
      tpu.wait_indirect_dma semaphore(%arg17 : memref<!tpu.dma_semaphore, #tpu.memory_space<semaphore_mem>>) src(%dma_wait3A_78 : memref<10240x64xf32, #tpu.memory_space<vmem_shared>>) dst(%arg13 : memref<128x64xf32, #tpu.memory_space<vmem>>)
      %dma_wait3A_79 = arith.constant 0 : i32
      %dma_wait3A_80 = arith.constant 0 : i32
      %dma_wait3A_81 = tpu.memref_slice %arg11[%dma_wait3A_79, %dma_wait3A_80] : memref<40x128xi32, #tpu.memory_space<vmem>> -> memref<1x128xi32, #tpu.memory_space<vmem>>
      %dma_wait3A_82 = tpu.memref_squeeze %dma_wait3A_81 : memref<1x128xi32, #tpu.memory_space<vmem>> -> memref<128xi32, #tpu.memory_space<vmem>>
      %dma_wait3A_83 = arith.constant 0 : i32
      %dma_wait3A_84 = arith.constant 0 : i32
      %dma_wait3A_85 = tpu.memref_slice %arg14[%dma_wait3A_83, %dma_wait3A_84] : memref<10240x64xf32, #tpu.memory_space<vmem_shared>> -> memref<10240x64xf32, #tpu.memory_space<vmem_shared>>
      tpu.wait_indirect_dma semaphore(%arg18 : memref<!tpu.dma_semaphore, #tpu.memory_space<semaphore_mem>>) src(%arg12 : memref<128x64xf32, #tpu.memory_space<vmem>>) dst(%dma_wait3A_85 : memref<10240x64xf32, #tpu.memory_space<vmem_shared>>)
      %run_scoped3A = arith.constant 39 : i32
      "tpu.region"() ({
        %run_scoped3A_86 = tpu.sem_alloc : memref<!tpu.dma_semaphore, #tpu.memory_space<semaphore_mem>>
        %dma_start3A_87 = arith.constant 0 : i32
        %dma_start3A_88 = tpu.memref_slice %arg11[%run_scoped3A, %dma_start3A_87] : memref<40x128xi32, #tpu.memory_space<vmem>> -> memref<1x128xi32, #tpu.memory_space<vmem>>
        %dma_start3A_89 = tpu.memref_squeeze %dma_start3A_88 : memref<1x128xi32, #tpu.memory_space<vmem>> -> memref<128xi32, #tpu.memory_space<vmem>>
        %dma_start3A_90 = arith.constant 0 : i32
        %dma_start3A_91 = arith.constant 0 : i32
        %dma_start3A_92 = tpu.memref_slice %arg14[%dma_start3A_90, %dma_start3A_91] : memref<10240x64xf32, #tpu.memory_space<vmem_shared>> -> memref<10240x64xf32, #tpu.memory_space<vmem_shared>>
        tpu.enqueue_indirect_dma source(%arg13 : memref<128x64xf32, #tpu.memory_space<vmem>>) target(%dma_start3A_92 : memref<10240x64xf32, #tpu.memory_space<vmem_shared>>) offsets(%dma_start3A_89 : memref<128xi32, #tpu.memory_space<vmem>>) semaphore(%run_scoped3A_86 : memref<!tpu.dma_semaphore, #tpu.memory_space<semaphore_mem>>) {add = true}
        %dma_wait3A_93 = arith.constant 0 : i32
        %dma_wait3A_94 = tpu.memref_slice %arg11[%run_scoped3A, %dma_wait3A_93] : memref<40x128xi32, #tpu.memory_space<vmem>> -> memref<1x128xi32, #tpu.memory_space<vmem>>
        %dma_wait3A_95 = tpu.memref_squeeze %dma_wait3A_94 : memref<1x128xi32, #tpu.memory_space<vmem>> -> memref<128xi32, #tpu.memory_space<vmem>>
        %dma_wait3A_96 = arith.constant 0 : i32
        %dma_wait3A_97 = arith.constant 0 : i32
        %dma_wait3A_98 = tpu.memref_slice %arg14[%dma_wait3A_96, %dma_wait3A_97] : memref<10240x64xf32, #tpu.memory_space<vmem_shared>> -> memref<10240x64xf32, #tpu.memory_space<vmem_shared>>
        tpu.wait_indirect_dma semaphore(%run_scoped3A_86 : memref<!tpu.dma_semaphore, #tpu.memory_space<semaphore_mem>>) src(%arg13 : memref<128x64xf32, #tpu.memory_space<vmem>>) dst(%dma_wait3A_98 : memref<10240x64xf32, #tpu.memory_space<vmem_shared>>)
        tpu.yield
      }) : () -> ()
    }
    %scan3A_22 = arith.constant 2 : i32
    %barrier3A_23 = arith.constant 0 : index
    tpu.barrier barrier_id(%barrier3A_23)
    %eq3A_24 = arith.constant 0 : i32
    %eq3A_25 = arith.cmpi eq, %arg0, %eq3A_24 : i32
    %convert_element_type3A_26 = arith.extui %eq3A_25 : i1 to i32
    %cond3A_27 = arith.constant 0 : i32
    %cond3A_28 = arith.cmpi ne, %convert_element_type3A_26, %cond3A_27 : i32
    scf.if %cond3A_28 {
      "tpu.region"() ({
        %run_scoped3A = tpu.sem_alloc : memref<!tpu.dma_semaphore, #tpu.memory_space<semaphore_mem>>
        %dma_start3A = arith.constant 0 : i32
        %dma_start3A_34 = tpu.memref_slice %arg8[%mul3A_2, %dma_start3A] : memref<10240x64xf32, #tpu.memory_space<hbm>> -> memref<640x64xf32, #tpu.memory_space<hbm>>
        %dma_start3A_35 = arith.constant 0 : i32
        %dma_start3A_36 = tpu.memref_slice %arg14[%mul3A_2, %dma_start3A_35] : memref<10240x64xf32, #tpu.memory_space<vmem_shared>> -> memref<640x64xf32, #tpu.memory_space<vmem_shared>>
        tpu.enqueue_dma source(%dma_start3A_36 : memref<640x64xf32, #tpu.memory_space<vmem_shared>>) target(%dma_start3A_34 : memref<640x64xf32, #tpu.memory_space<hbm>>) target_semaphore(%run_scoped3A : memref<!tpu.dma_semaphore, #tpu.memory_space<semaphore_mem>>)
        %dma_wait3A = arith.constant 0 : i32
        %dma_wait3A_37 = tpu.memref_slice %arg8[%mul3A_2, %dma_wait3A] : memref<10240x64xf32, #tpu.memory_space<hbm>> -> memref<640x64xf32, #tpu.memory_space<hbm>>
        %dma_wait3A_38 = arith.constant 0 : i32
        %dma_wait3A_39 = tpu.memref_slice %arg14[%mul3A_2, %dma_wait3A_38] : memref<10240x64xf32, #tpu.memory_space<vmem_shared>> -> memref<640x64xf32, #tpu.memory_space<vmem_shared>>
        tpu.wait_dma2 semaphore(%run_scoped3A : memref<!tpu.dma_semaphore, #tpu.memory_space<semaphore_mem>>) src(%dma_wait3A_39 : memref<640x64xf32, #tpu.memory_space<vmem_shared>>) dst(%dma_wait3A_37 : memref<640x64xf32, #tpu.memory_space<hbm>>)
        tpu.yield
      }) : () -> ()
    } else {
    }
    %eq3A_29 = arith.constant 1 : i32
    %eq3A_30 = arith.cmpi eq, %arg0, %eq3A_29 : i32
    %convert_element_type3A_31 = arith.extui %eq3A_30 : i1 to i32
    %cond3A_32 = arith.constant 0 : i32
    %cond3A_33 = arith.cmpi ne, %convert_element_type3A_31, %cond3A_32 : i32
    scf.if %cond3A_33 {
      "tpu.region"() ({
        %run_scoped3A = tpu.sem_alloc : memref<!tpu.dma_semaphore, #tpu.memory_space<semaphore_mem>>
        %dma_start3A = arith.constant 0 : i32
        %dma_start3A_34 = tpu.memref_slice %arg9[%mul3A_2, %dma_start3A] : memref<10240x64xf32, #tpu.memory_space<hbm>> -> memref<640x64xf32, #tpu.memory_space<hbm>>
        %dma_start3A_35 = arith.constant 0 : i32
        %dma_start3A_36 = tpu.memref_slice %arg14[%mul3A_2, %dma_start3A_35] : memref<10240x64xf32, #tpu.memory_space<vmem_shared>> -> memref<640x64xf32, #tpu.memory_space<vmem_shared>>
        tpu.enqueue_dma source(%dma_start3A_36 : memref<640x64xf32, #tpu.memory_space<vmem_shared>>) target(%dma_start3A_34 : memref<640x64xf32, #tpu.memory_space<hbm>>) target_semaphore(%run_scoped3A : memref<!tpu.dma_semaphore, #tpu.memory_space<semaphore_mem>>)
        %dma_wait3A = arith.constant 0 : i32
        %dma_wait3A_37 = tpu.memref_slice %arg9[%mul3A_2, %dma_wait3A] : memref<10240x64xf32, #tpu.memory_space<hbm>> -> memref<640x64xf32, #tpu.memory_space<hbm>>
        %dma_wait3A_38 = arith.constant 0 : i32
        %dma_wait3A_39 = tpu.memref_slice %arg14[%mul3A_2, %dma_wait3A_38] : memref<10240x64xf32, #tpu.memory_space<vmem_shared>> -> memref<640x64xf32, #tpu.memory_space<vmem_shared>>
        tpu.wait_dma2 semaphore(%run_scoped3A : memref<!tpu.dma_semaphore, #tpu.memory_space<semaphore_mem>>) src(%dma_wait3A_39 : memref<640x64xf32, #tpu.memory_space<vmem_shared>>) dst(%dma_wait3A_37 : memref<640x64xf32, #tpu.memory_space<hbm>>)
        tpu.yield
      }) : () -> ()
    } else {
    }
    return
  }
}

#map = affine_map<(d0, d1) -> (0, 0)>
#map1 = affine_map<(d0, d1) -> (0)>
module attributes {stable_mosaic.version = 14 : i64} {
  func.func @deg_kernel(%arg0: i32, %arg1: i32, %arg2: memref<2560x128xi32, #tpu.memory_space<hbm>>, %arg3: memref<10240xf32, #tpu.memory_space<hbm>>, %arg4: memref<10240xf32, #tpu.memory_space<hbm>>, %arg5: memref<80x128xi32, #tpu.memory_space<vmem>>, %arg6: memref<128xf32, #tpu.memory_space<vmem>>, %arg7: memref<640xf32, #tpu.memory_space<vmem>>, %arg8: memref<10240xf32, #tpu.memory_space<vmem_shared>>) attributes {dimension_semantics = [#tpu.dimension_semantics<core_parallel>, #tpu.dimension_semantics<subcore_parallel>], iteration_bounds = array<i64: 2, 16>, scalar_prefetch = 0 : i64, scratch_operands = 4 : i64, tpu.core_type = #tpu.core_type<sc_vector_subcore>, window_params = [{transform_indices = #map}, {transform_indices = #map1}, {transform_indices = #map1}]} {
    %mul3A = arith.constant 2 : i32
    %mul3A_0 = arith.muli %arg1, %mul3A : i32
    %add3A = arith.addi %mul3A_0, %arg0 : i32
    %mul3A_1 = arith.constant 640 : i32
    %mul3A_2 = arith.muli %arg1, %mul3A_1 : i32
    %mul3A_3 = arith.constant 80 : i32
    %mul3A_4 = arith.muli %add3A, %mul3A_3 : i32
    "tpu.region"() ({
      %run_scoped3A = tpu.sem_alloc : memref<!tpu.dma_semaphore, #tpu.memory_space<semaphore_mem>>
      %dma_start3A = arith.constant 0 : i32
      %dma_start3A_70 = tpu.memref_slice %arg2[%mul3A_4, %dma_start3A] : memref<2560x128xi32, #tpu.memory_space<hbm>> -> memref<80x128xi32, #tpu.memory_space<hbm>>
      %dma_start3A_71 = arith.constant 0 : i32
      %dma_start3A_72 = tpu.memref_slice %arg2[%mul3A_4, %dma_start3A_71] : memref<2560x128xi32, #tpu.memory_space<hbm>> -> memref<80x128xi32, #tpu.memory_space<hbm>>
      tpu.enqueue_dma source(%dma_start3A_72 : memref<80x128xi32, #tpu.memory_space<hbm>>) target(%arg5 : memref<80x128xi32, #tpu.memory_space<vmem>>) target_semaphore(%run_scoped3A : memref<!tpu.dma_semaphore, #tpu.memory_space<semaphore_mem>>)
      %dma_wait3A = arith.constant 0 : i32
      %dma_wait3A_73 = tpu.memref_slice %arg2[%mul3A_4, %dma_wait3A] : memref<2560x128xi32, #tpu.memory_space<hbm>> -> memref<80x128xi32, #tpu.memory_space<hbm>>
      %dma_wait3A_74 = arith.constant 0 : i32
      %dma_wait3A_75 = tpu.memref_slice %arg2[%mul3A_4, %dma_wait3A_74] : memref<2560x128xi32, #tpu.memory_space<hbm>> -> memref<80x128xi32, #tpu.memory_space<hbm>>
      tpu.wait_dma2 semaphore(%run_scoped3A : memref<!tpu.dma_semaphore, #tpu.memory_space<semaphore_mem>>) src(%dma_wait3A_75 : memref<80x128xi32, #tpu.memory_space<hbm>>) dst(%arg5 : memref<80x128xi32, #tpu.memory_space<vmem>>)
      tpu.yield
    }) : () -> ()
    %broadcast_in_dim3A = arith.constant 1.000000e+00 : f32
    %broadcast_in_dim3A_5 = vector.broadcast %broadcast_in_dim3A : f32 to vector<16xf32>
    %swap3A = arith.constant 0 : index
    %swap3A_6 = tpu.vector_load %arg6[%swap3A] {strides = array<i32>} : memref<128xf32, #tpu.memory_space<vmem>>, vector<16xf32>,
    %swap3A_7 = vector.shape_cast %swap3A_6 : vector<16xf32> to vector<16xf32>
    %swap3A_8 = vector.shape_cast %broadcast_in_dim3A_5 : vector<16xf32> to vector<16xf32>
    tpu.vector_store %arg6[%swap3A], %swap3A_8 {strides = array<i32>} : memref<128xf32, #tpu.memory_space<vmem>>, vector<16xf32>,
    %broadcast_in_dim3A_9 = arith.constant 1.000000e+00 : f32
    %broadcast_in_dim3A_10 = vector.broadcast %broadcast_in_dim3A_9 : f32 to vector<16xf32>
    %swap3A_11 = arith.constant 16 : index
    %swap3A_12 = tpu.vector_load %arg6[%swap3A_11] {strides = array<i32>} : memref<128xf32, #tpu.memory_space<vmem>>, vector<16xf32>,
    %swap3A_13 = vector.shape_cast %swap3A_12 : vector<16xf32> to vector<16xf32>
    %swap3A_14 = vector.shape_cast %broadcast_in_dim3A_10 : vector<16xf32> to vector<16xf32>
    tpu.vector_store %arg6[%swap3A_11], %swap3A_14 {strides = array<i32>} : memref<128xf32, #tpu.memory_space<vmem>>, vector<16xf32>,
    %broadcast_in_dim3A_15 = arith.constant 1.000000e+00 : f32
    %broadcast_in_dim3A_16 = vector.broadcast %broadcast_in_dim3A_15 : f32 to vector<16xf32>
    %swap3A_17 = arith.constant 32 : index
    %swap3A_18 = tpu.vector_load %arg6[%swap3A_17] {strides = array<i32>} : memref<128xf32, #tpu.memory_space<vmem>>, vector<16xf32>,
    %swap3A_19 = vector.shape_cast %swap3A_18 : vector<16xf32> to vector<16xf32>
    %swap3A_20 = vector.shape_cast %broadcast_in_dim3A_16 : vector<16xf32> to vector<16xf32>
    tpu.vector_store %arg6[%swap3A_17], %swap3A_20 {strides = array<i32>} : memref<128xf32, #tpu.memory_space<vmem>>, vector<16xf32>,
    %broadcast_in_dim3A_21 = arith.constant 1.000000e+00 : f32
    %broadcast_in_dim3A_22 = vector.broadcast %broadcast_in_dim3A_21 : f32 to vector<16xf32>
    %swap3A_23 = arith.constant 48 : index
    %swap3A_24 = tpu.vector_load %arg6[%swap3A_23] {strides = array<i32>} : memref<128xf32, #tpu.memory_space<vmem>>, vector<16xf32>,
    %swap3A_25 = vector.shape_cast %swap3A_24 : vector<16xf32> to vector<16xf32>
    %swap3A_26 = vector.shape_cast %broadcast_in_dim3A_22 : vector<16xf32> to vector<16xf32>
    tpu.vector_store %arg6[%swap3A_23], %swap3A_26 {strides = array<i32>} : memref<128xf32, #tpu.memory_space<vmem>>, vector<16xf32>,
    %broadcast_in_dim3A_27 = arith.constant 1.000000e+00 : f32
    %broadcast_in_dim3A_28 = vector.broadcast %broadcast_in_dim3A_27 : f32 to vector<16xf32>
    %swap3A_29 = arith.constant 64 : index
    %swap3A_30 = tpu.vector_load %arg6[%swap3A_29] {strides = array<i32>} : memref<128xf32, #tpu.memory_space<vmem>>, vector<16xf32>,
    %swap3A_31 = vector.shape_cast %swap3A_30 : vector<16xf32> to vector<16xf32>
    %swap3A_32 = vector.shape_cast %broadcast_in_dim3A_28 : vector<16xf32> to vector<16xf32>
    tpu.vector_store %arg6[%swap3A_29], %swap3A_32 {strides = array<i32>} : memref<128xf32, #tpu.memory_space<vmem>>, vector<16xf32>,
    %broadcast_in_dim3A_33 = arith.constant 1.000000e+00 : f32
    %broadcast_in_dim3A_34 = vector.broadcast %broadcast_in_dim3A_33 : f32 to vector<16xf32>
    %swap3A_35 = arith.constant 80 : index
    %swap3A_36 = tpu.vector_load %arg6[%swap3A_35] {strides = array<i32>} : memref<128xf32, #tpu.memory_space<vmem>>, vector<16xf32>,
    %swap3A_37 = vector.shape_cast %swap3A_36 : vector<16xf32> to vector<16xf32>
    %swap3A_38 = vector.shape_cast %broadcast_in_dim3A_34 : vector<16xf32> to vector<16xf32>
    tpu.vector_store %arg6[%swap3A_35], %swap3A_38 {strides = array<i32>} : memref<128xf32, #tpu.memory_space<vmem>>, vector<16xf32>,
    %broadcast_in_dim3A_39 = arith.constant 1.000000e+00 : f32
    %broadcast_in_dim3A_40 = vector.broadcast %broadcast_in_dim3A_39 : f32 to vector<16xf32>
    %swap3A_41 = arith.constant 96 : index
    %swap3A_42 = tpu.vector_load %arg6[%swap3A_41] {strides = array<i32>} : memref<128xf32, #tpu.memory_space<vmem>>, vector<16xf32>,
    %swap3A_43 = vector.shape_cast %swap3A_42 : vector<16xf32> to vector<16xf32>
    %swap3A_44 = vector.shape_cast %broadcast_in_dim3A_40 : vector<16xf32> to vector<16xf32>
    tpu.vector_store %arg6[%swap3A_41], %swap3A_44 {strides = array<i32>} : memref<128xf32, #tpu.memory_space<vmem>>, vector<16xf32>,
    %broadcast_in_dim3A_45 = arith.constant 1.000000e+00 : f32
    %broadcast_in_dim3A_46 = vector.broadcast %broadcast_in_dim3A_45 : f32 to vector<16xf32>
    %swap3A_47 = arith.constant 112 : index
    %swap3A_48 = tpu.vector_load %arg6[%swap3A_47] {strides = array<i32>} : memref<128xf32, #tpu.memory_space<vmem>>, vector<16xf32>,
    %swap3A_49 = vector.shape_cast %swap3A_48 : vector<16xf32> to vector<16xf32>
    %swap3A_50 = vector.shape_cast %broadcast_in_dim3A_46 : vector<16xf32> to vector<16xf32>
    tpu.vector_store %arg6[%swap3A_47], %swap3A_50 {strides = array<i32>} : memref<128xf32, #tpu.memory_space<vmem>>, vector<16xf32>,
    %scan3A = arith.constant 0 : i32
    %scan3A_51 = arith.constant 0 : i32
    %scan3A_52 = arith.constant 40 : i32
    %scan3A_53 = arith.addi %scan3A_51, %scan3A_52 : i32
    %scan3A_54 = arith.constant 1 : i32
    scf.for %scan3A_70 = %scan3A_51 to %scan3A_53 step %scan3A_54  : i32 {
      %broadcast_in_dim3A_71 = arith.constant 0.000000e+00 : f32
      %broadcast_in_dim3A_72 = vector.broadcast %broadcast_in_dim3A_71 : f32 to vector<16xf32>
      %mul3A_73 = arith.constant 16 : i32
      %mul3A_74 = arith.muli %scan3A_70, %mul3A_73 : i32
      %swap3A_75 = arith.index_cast %mul3A_74 : i32 to index
      %swap3A_76 = tpu.vector_load %arg7[%swap3A_75] {strides = array<i32>} : memref<640xf32, #tpu.memory_space<vmem>>, vector<16xf32>,
      %swap3A_77 = vector.shape_cast %swap3A_76 : vector<16xf32> to vector<16xf32>
      %swap3A_78 = vector.shape_cast %broadcast_in_dim3A_72 : vector<16xf32> to vector<16xf32>
      tpu.vector_store %arg7[%swap3A_75], %swap3A_78 {strides = array<i32>} : memref<640xf32, #tpu.memory_space<vmem>>, vector<16xf32>,
    }
    %scan3A_55 = arith.constant 40 : i32
    "tpu.region"() ({
      %run_scoped3A = tpu.sem_alloc : memref<!tpu.dma_semaphore, #tpu.memory_space<semaphore_mem>>
      %dma_start3A = tpu.memref_slice %arg8[%mul3A_2] : memref<10240xf32, #tpu.memory_space<vmem_shared>> -> memref<640xf32, #tpu.memory_space<vmem_shared>>
      %dma_start3A_70 = tpu.memref_slice %arg8[%mul3A_2] : memref<10240xf32, #tpu.memory_space<vmem_shared>> -> memref<640xf32, #tpu.memory_space<vmem_shared>>
      tpu.enqueue_dma source(%arg7 : memref<640xf32, #tpu.memory_space<vmem>>) target(%dma_start3A_70 : memref<640xf32, #tpu.memory_space<vmem_shared>>) target_semaphore(%run_scoped3A : memref<!tpu.dma_semaphore, #tpu.memory_space<semaphore_mem>>)
      %dma_wait3A = tpu.memref_slice %arg8[%mul3A_2] : memref<10240xf32, #tpu.memory_space<vmem_shared>> -> memref<640xf32, #tpu.memory_space<vmem_shared>>
      %dma_wait3A_71 = tpu.memref_slice %arg8[%mul3A_2] : memref<10240xf32, #tpu.memory_space<vmem_shared>> -> memref<640xf32, #tpu.memory_space<vmem_shared>>
      tpu.wait_dma2 semaphore(%run_scoped3A : memref<!tpu.dma_semaphore, #tpu.memory_space<semaphore_mem>>) src(%arg7 : memref<640xf32, #tpu.memory_space<vmem>>) dst(%dma_wait3A_71 : memref<640xf32, #tpu.memory_space<vmem_shared>>)
      tpu.yield
    }) : () -> ()
    %barrier3A = arith.constant 0 : index
    tpu.barrier barrier_id(%barrier3A)
    %scan3A_56 = arith.constant 0 : i32
    %scan3A_57 = arith.constant 0 : i32
    %scan3A_58 = arith.constant 80 : i32
    %scan3A_59 = arith.addi %scan3A_57, %scan3A_58 : i32
    %scan3A_60 = arith.constant 1 : i32
    scf.for %scan3A_70 = %scan3A_57 to %scan3A_59 step %scan3A_60  : i32 {
      "tpu.region"() ({
        %run_scoped3A = tpu.sem_alloc : memref<!tpu.dma_semaphore, #tpu.memory_space<semaphore_mem>>
        %dma_start3A = arith.constant 0 : i32
        %dma_start3A_71 = tpu.memref_slice %arg5[%scan3A_70, %dma_start3A] : memref<80x128xi32, #tpu.memory_space<vmem>> -> memref<1x128xi32, #tpu.memory_space<vmem>>
        %dma_start3A_72 = tpu.memref_squeeze %dma_start3A_71 : memref<1x128xi32, #tpu.memory_space<vmem>> -> memref<128xi32, #tpu.memory_space<vmem>>
        %dma_start3A_73 = arith.constant 0 : i32
        %dma_start3A_74 = tpu.memref_slice %arg8[%dma_start3A_73] : memref<10240xf32, #tpu.memory_space<vmem_shared>> -> memref<10240xf32, #tpu.memory_space<vmem_shared>>
        tpu.enqueue_indirect_dma source(%arg6 : memref<128xf32, #tpu.memory_space<vmem>>) target(%dma_start3A_74 : memref<10240xf32, #tpu.memory_space<vmem_shared>>) offsets(%dma_start3A_72 : memref<128xi32, #tpu.memory_space<vmem>>) semaphore(%run_scoped3A : memref<!tpu.dma_semaphore, #tpu.memory_space<semaphore_mem>>) {add = true}
        %dma_wait3A = arith.constant 0 : i32
        %dma_wait3A_75 = tpu.memref_slice %arg5[%scan3A_70, %dma_wait3A] : memref<80x128xi32, #tpu.memory_space<vmem>> -> memref<1x128xi32, #tpu.memory_space<vmem>>
        %dma_wait3A_76 = tpu.memref_squeeze %dma_wait3A_75 : memref<1x128xi32, #tpu.memory_space<vmem>> -> memref<128xi32, #tpu.memory_space<vmem>>
        %dma_wait3A_77 = arith.constant 0 : i32
        %dma_wait3A_78 = tpu.memref_slice %arg8[%dma_wait3A_77] : memref<10240xf32, #tpu.memory_space<vmem_shared>> -> memref<10240xf32, #tpu.memory_space<vmem_shared>>
        tpu.wait_indirect_dma semaphore(%run_scoped3A : memref<!tpu.dma_semaphore, #tpu.memory_space<semaphore_mem>>) src(%arg6 : memref<128xf32, #tpu.memory_space<vmem>>) dst(%dma_wait3A_78 : memref<10240xf32, #tpu.memory_space<vmem_shared>>)
        tpu.yield
      }) : () -> ()
    }
    %scan3A_61 = arith.constant 80 : i32
    %barrier3A_62 = arith.constant 0 : index
    tpu.barrier barrier_id(%barrier3A_62)
    %eq3A = arith.constant 0 : i32
    %eq3A_63 = arith.cmpi eq, %arg0, %eq3A : i32
    %convert_element_type3A = arith.extui %eq3A_63 : i1 to i32
    %cond3A = arith.constant 0 : i32
    %cond3A_64 = arith.cmpi ne, %convert_element_type3A, %cond3A : i32
    scf.if %cond3A_64 {
      "tpu.region"() ({
        %run_scoped3A = tpu.sem_alloc : memref<!tpu.dma_semaphore, #tpu.memory_space<semaphore_mem>>
        %dma_start3A = tpu.memref_slice %arg3[%mul3A_2] : memref<10240xf32, #tpu.memory_space<hbm>> -> memref<640xf32, #tpu.memory_space<hbm>>
        %dma_start3A_70 = tpu.memref_slice %arg8[%mul3A_2] : memref<10240xf32, #tpu.memory_space<vmem_shared>> -> memref<640xf32, #tpu.memory_space<vmem_shared>>
        tpu.enqueue_dma source(%dma_start3A_70 : memref<640xf32, #tpu.memory_space<vmem_shared>>) target(%dma_start3A : memref<640xf32, #tpu.memory_space<hbm>>) target_semaphore(%run_scoped3A : memref<!tpu.dma_semaphore, #tpu.memory_space<semaphore_mem>>)
        %dma_wait3A = tpu.memref_slice %arg3[%mul3A_2] : memref<10240xf32, #tpu.memory_space<hbm>> -> memref<640xf32, #tpu.memory_space<hbm>>
        %dma_wait3A_71 = tpu.memref_slice %arg8[%mul3A_2] : memref<10240xf32, #tpu.memory_space<vmem_shared>> -> memref<640xf32, #tpu.memory_space<vmem_shared>>
        tpu.wait_dma2 semaphore(%run_scoped3A : memref<!tpu.dma_semaphore, #tpu.memory_space<semaphore_mem>>) src(%dma_wait3A_71 : memref<640xf32, #tpu.memory_space<vmem_shared>>) dst(%dma_wait3A : memref<640xf32, #tpu.memory_space<hbm>>)
        tpu.yield
      }) : () -> ()
    } else {
    }
    %eq3A_65 = arith.constant 1 : i32
    %eq3A_66 = arith.cmpi eq, %arg0, %eq3A_65 : i32
    %convert_element_type3A_67 = arith.extui %eq3A_66 : i1 to i32
    %cond3A_68 = arith.constant 0 : i32
    %cond3A_69 = arith.cmpi ne, %convert_element_type3A_67, %cond3A_68 : i32
    scf.if %cond3A_69 {
      "tpu.region"() ({
        %run_scoped3A = tpu.sem_alloc : memref<!tpu.dma_semaphore, #tpu.memory_space<semaphore_mem>>
        %dma_start3A = tpu.memref_slice %arg4[%mul3A_2] : memref<10240xf32, #tpu.memory_space<hbm>> -> memref<640xf32, #tpu.memory_space<hbm>>
        %dma_start3A_70 = tpu.memref_slice %arg8[%mul3A_2] : memref<10240xf32, #tpu.memory_space<vmem_shared>> -> memref<640xf32, #tpu.memory_space<vmem_shared>>
        tpu.enqueue_dma source(%dma_start3A_70 : memref<640xf32, #tpu.memory_space<vmem_shared>>) target(%dma_start3A : memref<640xf32, #tpu.memory_space<hbm>>) target_semaphore(%run_scoped3A : memref<!tpu.dma_semaphore, #tpu.memory_space<semaphore_mem>>)
        %dma_wait3A = tpu.memref_slice %arg4[%mul3A_2] : memref<10240xf32, #tpu.memory_space<hbm>> -> memref<640xf32, #tpu.memory_space<hbm>>
        %dma_wait3A_71 = tpu.memref_slice %arg8[%mul3A_2] : memref<10240xf32, #tpu.memory_space<vmem_shared>> -> memref<640xf32, #tpu.memory_space<vmem_shared>>
        tpu.wait_dma2 semaphore(%run_scoped3A : memref<!tpu.dma_semaphore, #tpu.memory_space<semaphore_mem>>) src(%dma_wait3A_71 : memref<640xf32, #tpu.memory_space<vmem_shared>>) dst(%dma_wait3A : memref<640xf32, #tpu.memory_space<hbm>>)
        tpu.yield
      }) : () -> ()
    } else {
    }
    return
  }
}

module attributes {stable_mosaic.version = 14 : i64} {
  func.func @body(%arg0: i32, %arg1: memref<512x128xf32, #tpu.memory_space<vmem>>, %arg2: memref<128x128xf32, #tpu.memory_space<vmem>>, %arg3: memref<512x1xf32, #tpu.memory_space<vmem>>, %arg4: memref<512x1xf32, #tpu.memory_space<vmem>>, %arg5: memref<512x64xf32, #tpu.memory_space<vmem>>, %arg6: memref<512x64xf32, #tpu.memory_space<vmem>>, %arg7: memref<512x1xf32, #tpu.memory_space<vmem>>) attributes {dimension_semantics = [#tpu.dimension_semantics<arbitrary>], iteration_bounds = array<i64: 20>, scalar_prefetch = 0 : i64, scratch_operands = 0 : i64, tpu.core_type = #tpu.core_type<tc>, window_params = [{transform_indices = @transform_0, window_bounds = array<i64: 512, 128>}, {pipeline_mode = #tpu.pipeline_mode<synchronous>, transform_indices = @transform_1, window_bounds = array<i64: 128, 128>}, {transform_indices = @transform_2, window_bounds = array<i64: 512, 1>}, {transform_indices = @transform_3, window_bounds = array<i64: 512, 1>}, {transform_indices = @transform_4, window_bounds = array<i64: 512, 64>}, {transform_indices = @transform_5, window_bounds = array<i64: 512, 64>}, {transform_indices = @transform_6, window_bounds = array<i64: 512, 1>}]} {
    %get3A = arith.constant 0 : index
    %get3A_0 = arith.constant 0 : index
    %get3A_1 = vector.load %arg3[%get3A, %get3A_0] : memref<512x1xf32, #tpu.memory_space<vmem>>, vector<512x1xf32>
    %get3A_2 = arith.constant 0 : index
    %get3A_3 = arith.constant 0 : index
    %get3A_4 = vector.load %arg4[%get3A_2, %get3A_3] : memref<512x1xf32, #tpu.memory_space<vmem>>, vector<512x1xf32>
    %add3A = arith.addf %get3A_1, %get3A_4 : vector<512x1xf32>
    %add3A_5 = arith.constant 1.000000e+00 : f32
    %add3A_6 = vector.broadcast %add3A_5 : f32 to vector<512x1xf32>
    %add3A_7 = arith.addf %add3A, %add3A_6 : vector<512x1xf32>
    %rsqrt3A = math.rsqrt %add3A_7 : vector<512x1xf32>
    %get3A_8 = arith.constant 0 : index
    %get3A_9 = arith.constant 0 : index
    %get3A_10 = vector.load %arg1[%get3A_8, %get3A_9] : memref<512x128xf32, #tpu.memory_space<vmem>>, vector<512x128xf32>
    %get3A_11 = arith.constant 0 : index
    %get3A_12 = arith.constant 0 : index
    %get3A_13 = vector.load %arg2[%get3A_11, %get3A_12] : memref<128x128xf32, #tpu.memory_space<vmem>>, vector<128x128xf32>
    %dot_general3A = arith.constant dense<0.000000e+00> : vector<512x128xf32>
    %dot_general3A_14 = tpu.matmul %get3A_10, %get3A_13, %dot_general3A {dimension_numbers = #tpu.dot_dimension_numbers<[1], [0], [0], [1], [0, 0, 1, 1], [], []>, transpose_lhs_hint = false} : vector<512x128xf32>, vector<128x128xf32>, vector<512x128xf32> -> vector<512x128xf32>
    %mul3A = vector.broadcast %rsqrt3A : vector<512x1xf32> to vector<512x128xf32>
    %mul3A_15 = arith.mulf %dot_general3A_14, %mul3A : vector<512x128xf32>
    %slice3A = vector.extract_strided_slice %mul3A_15 {offsets = [0, 0], sizes = [512, 64], strides = [1, 1]} : vector<512x128xf32> to vector<512x64xf32>
    %swap3A = arith.constant 0 : index
    %swap3A_16 = arith.constant 0 : index
    %swap3A_17 = vector.load %arg5[%swap3A, %swap3A_16] : memref<512x64xf32, #tpu.memory_space<vmem>>, vector<512x64xf32>
    tpu.vector_store %arg5[%swap3A, %swap3A_16], %slice3A {strides = array<i32>} : memref<512x64xf32, #tpu.memory_space<vmem>>, vector<512x64xf32>,
    %slice3A_18 = vector.extract_strided_slice %mul3A_15 {offsets = [0, 64], sizes = [512, 64], strides = [1, 1]} : vector<512x128xf32> to vector<512x64xf32>
    %swap3A_19 = arith.constant 0 : index
    %swap3A_20 = arith.constant 0 : index
    %swap3A_21 = vector.load %arg6[%swap3A_19, %swap3A_20] : memref<512x64xf32, #tpu.memory_space<vmem>>, vector<512x64xf32>
    tpu.vector_store %arg6[%swap3A_19, %swap3A_20], %slice3A_18 {strides = array<i32>} : memref<512x64xf32, #tpu.memory_space<vmem>>, vector<512x64xf32>,
    %swap3A_22 = arith.constant 0 : index
    %swap3A_23 = arith.constant 0 : index
    %swap3A_24 = vector.load %arg7[%swap3A_22, %swap3A_23] : memref<512x1xf32, #tpu.memory_space<vmem>>, vector<512x1xf32>
    tpu.vector_store %arg7[%swap3A_22, %swap3A_23], %rsqrt3A {strides = array<i32>} : memref<512x1xf32, #tpu.memory_space<vmem>>, vector<512x1xf32>,
    return
  }
  func.func @transform_0(%arg0: i32) -> (i32, i32) {
    %c0_i32 = arith.constant 0 : i32
    %c0_i32_0 = arith.constant 0 : i32
    return %arg0, %c0_i32 : i32, i32
  }
  func.func @transform_1(%arg0: i32) -> (i32, i32) {
    %c0_i32 = arith.constant 0 : i32
    %c0_i32_0 = arith.constant 0 : i32
    %c0_i32_1 = arith.constant 0 : i32
    return %c0_i32, %c0_i32_0 : i32, i32
  }
  func.func @transform_2(%arg0: i32) -> (i32, i32) {
    %c0_i32 = arith.constant 0 : i32
    %c0_i32_0 = arith.constant 0 : i32
    return %arg0, %c0_i32 : i32, i32
  }
  func.func @transform_3(%arg0: i32) -> (i32, i32) {
    %c0_i32 = arith.constant 0 : i32
    %c0_i32_0 = arith.constant 0 : i32
    return %arg0, %c0_i32 : i32, i32
  }
  func.func @transform_4(%arg0: i32) -> (i32, i32) {
    %c0_i32 = arith.constant 0 : i32
    %c0_i32_0 = arith.constant 0 : i32
    return %arg0, %c0_i32 : i32, i32
  }
  func.func @transform_5(%arg0: i32) -> (i32, i32) {
    %c0_i32 = arith.constant 0 : i32
    %c0_i32_0 = arith.constant 0 : i32
    return %arg0, %c0_i32 : i32, i32
  }
  func.func @transform_6(%arg0: i32) -> (i32, i32) {
    %c0_i32 = arith.constant 0 : i32
    %c0_i32_0 = arith.constant 0 : i32
    return %arg0, %c0_i32 : i32, i32
  }
}

module attributes {stable_mosaic.version = 14 : i64} {
  func.func @body(%arg0: i32, %arg1: memref<512x64xf32, #tpu.memory_space<vmem>>, %arg2: memref<512x64xf32, #tpu.memory_space<vmem>>, %arg3: memref<512x64xf32, #tpu.memory_space<vmem>>, %arg4: memref<512x64xf32, #tpu.memory_space<vmem>>, %arg5: memref<512x64xf32, #tpu.memory_space<vmem>>, %arg6: memref<512x64xf32, #tpu.memory_space<vmem>>, %arg7: memref<512x1xf32, #tpu.memory_space<vmem>>, %arg8: memref<1x128xf32, #tpu.memory_space<vmem>>, %arg9: memref<128x64xf32, #tpu.memory_space<vmem>>, %arg10: memref<512x64xf32, #tpu.memory_space<vmem>>) attributes {dimension_semantics = [#tpu.dimension_semantics<arbitrary>], iteration_bounds = array<i64: 20>, scalar_prefetch = 0 : i64, scratch_operands = 0 : i64, tpu.core_type = #tpu.core_type<tc>, window_params = [{transform_indices = @transform_0, window_bounds = array<i64: 512, 64>}, {transform_indices = @transform_1, window_bounds = array<i64: 512, 64>}, {transform_indices = @transform_2, window_bounds = array<i64: 512, 64>}, {transform_indices = @transform_3, window_bounds = array<i64: 512, 64>}, {transform_indices = @transform_4, window_bounds = array<i64: 512, 64>}, {transform_indices = @transform_5, window_bounds = array<i64: 512, 64>}, {transform_indices = @transform_6, window_bounds = array<i64: 512, 1>}, {pipeline_mode = #tpu.pipeline_mode<synchronous>, transform_indices = @transform_7, window_bounds = array<i64: 1, 128>}, {pipeline_mode = #tpu.pipeline_mode<synchronous>, transform_indices = @transform_8, window_bounds = array<i64: 128, 64>}, {transform_indices = @transform_9, window_bounds = array<i64: 512, 64>}]} {
    %get3A = arith.constant 0 : index
    %get3A_0 = arith.constant 0 : index
    %get3A_1 = vector.load %arg7[%get3A, %get3A_0] : memref<512x1xf32, #tpu.memory_space<vmem>>, vector<512x1xf32>
    %get3A_2 = arith.constant 0 : index
    %get3A_3 = arith.constant 0 : index
    %get3A_4 = vector.load %arg1[%get3A_2, %get3A_3] : memref<512x64xf32, #tpu.memory_space<vmem>>, vector<512x64xf32>
    %get3A_5 = arith.constant 0 : index
    %get3A_6 = arith.constant 0 : index
    %get3A_7 = vector.load %arg2[%get3A_5, %get3A_6] : memref<512x64xf32, #tpu.memory_space<vmem>>, vector<512x64xf32>
    %add3A = arith.addf %get3A_4, %get3A_7 : vector<512x64xf32>
    %get3A_8 = arith.constant 0 : index
    %get3A_9 = arith.constant 0 : index
    %get3A_10 = vector.load %arg5[%get3A_8, %get3A_9] : memref<512x64xf32, #tpu.memory_space<vmem>>, vector<512x64xf32>
    %sub3A = arith.subf %add3A, %get3A_10 : vector<512x64xf32>
    %mul3A = vector.broadcast %get3A_1 : vector<512x1xf32> to vector<512x64xf32>
    %mul3A_11 = arith.mulf %mul3A, %sub3A : vector<512x64xf32>
    %get3A_12 = arith.constant 0 : index
    %get3A_13 = arith.constant 0 : index
    %get3A_14 = vector.load %arg8[%get3A_12, %get3A_13] : memref<1x128xf32, #tpu.memory_space<vmem>>, vector<1x64xf32>
    %add3A_15 = vector.broadcast %get3A_14 : vector<1x64xf32> to vector<512x64xf32>
    %add3A_16 = arith.addf %mul3A_11, %add3A_15 : vector<512x64xf32>
    %get3A_17 = arith.constant 0 : index
    %get3A_18 = arith.constant 0 : index
    %get3A_19 = vector.load %arg3[%get3A_17, %get3A_18] : memref<512x64xf32, #tpu.memory_space<vmem>>, vector<512x64xf32>
    %get3A_20 = arith.constant 0 : index
    %get3A_21 = arith.constant 0 : index
    %get3A_22 = vector.load %arg4[%get3A_20, %get3A_21] : memref<512x64xf32, #tpu.memory_space<vmem>>, vector<512x64xf32>
    %add3A_23 = arith.addf %get3A_19, %get3A_22 : vector<512x64xf32>
    %get3A_24 = arith.constant 0 : index
    %get3A_25 = arith.constant 0 : index
    %get3A_26 = vector.load %arg6[%get3A_24, %get3A_25] : memref<512x64xf32, #tpu.memory_space<vmem>>, vector<512x64xf32>
    %sub3A_27 = arith.subf %add3A_23, %get3A_26 : vector<512x64xf32>
    %mul3A_28 = vector.broadcast %get3A_1 : vector<512x1xf32> to vector<512x64xf32>
    %mul3A_29 = arith.mulf %mul3A_28, %sub3A_27 : vector<512x64xf32>
    %get3A_30 = arith.constant 0 : index
    %get3A_31 = arith.constant 64 : index
    %get3A_32 = vector.load %arg8[%get3A_30, %get3A_31] : memref<1x128xf32, #tpu.memory_space<vmem>>, vector<1x64xf32>
    %add3A_33 = vector.broadcast %get3A_32 : vector<1x64xf32> to vector<512x64xf32>
    %add3A_34 = arith.addf %mul3A_29, %add3A_33 : vector<512x64xf32>
    %concatenate3A = tpu.concatenate %add3A_16, %add3A_34 in 1 : vector<512x64xf32>, vector<512x64xf32> -> vector<512x128xf32>
    %max3A = arith.constant 0.000000e+00 : f32
    %max3A_35 = vector.broadcast %max3A : f32 to vector<512x128xf32>
    %max3A_36 = arith.maximumf %concatenate3A, %max3A_35 : vector<512x128xf32>
    %get3A_37 = arith.constant 0 : index
    %get3A_38 = arith.constant 0 : index
    %get3A_39 = vector.load %arg9[%get3A_37, %get3A_38] : memref<128x64xf32, #tpu.memory_space<vmem>>, vector<128x64xf32>
    %dot_general3A = arith.constant dense<0.000000e+00> : vector<512x64xf32>
    %dot_general3A_40 = tpu.matmul %max3A_36, %get3A_39, %dot_general3A {dimension_numbers = #tpu.dot_dimension_numbers<[1], [0], [0], [1], [0, 0, 1, 1], [], []>, transpose_lhs_hint = false} : vector<512x128xf32>, vector<128x64xf32>, vector<512x64xf32> -> vector<512x64xf32>
    %mul3A_41 = vector.broadcast %get3A_1 : vector<512x1xf32> to vector<512x64xf32>
    %mul3A_42 = arith.mulf %mul3A_41, %dot_general3A_40 : vector<512x64xf32>
    %swap3A = arith.constant 0 : index
    %swap3A_43 = arith.constant 0 : index
    %swap3A_44 = vector.load %arg10[%swap3A, %swap3A_43] : memref<512x64xf32, #tpu.memory_space<vmem>>, vector<512x64xf32>
    tpu.vector_store %arg10[%swap3A, %swap3A_43], %mul3A_42 {strides = array<i32>} : memref<512x64xf32, #tpu.memory_space<vmem>>, vector<512x64xf32>,
    return
  }
  func.func @transform_0(%arg0: i32) -> (i32, i32) {
    %c0_i32 = arith.constant 0 : i32
    %c0_i32_0 = arith.constant 0 : i32
    return %arg0, %c0_i32 : i32, i32
  }
  func.func @transform_1(%arg0: i32) -> (i32, i32) {
    %c0_i32 = arith.constant 0 : i32
    %c0_i32_0 = arith.constant 0 : i32
    return %arg0, %c0_i32 : i32, i32
  }
  func.func @transform_2(%arg0: i32) -> (i32, i32) {
    %c0_i32 = arith.constant 0 : i32
    %c0_i32_0 = arith.constant 0 : i32
    return %arg0, %c0_i32 : i32, i32
  }
  func.func @transform_3(%arg0: i32) -> (i32, i32) {
    %c0_i32 = arith.constant 0 : i32
    %c0_i32_0 = arith.constant 0 : i32
    return %arg0, %c0_i32 : i32, i32
  }
  func.func @transform_4(%arg0: i32) -> (i32, i32) {
    %c0_i32 = arith.constant 0 : i32
    %c0_i32_0 = arith.constant 0 : i32
    return %arg0, %c0_i32 : i32, i32
  }
  func.func @transform_5(%arg0: i32) -> (i32, i32) {
    %c0_i32 = arith.constant 0 : i32
    %c0_i32_0 = arith.constant 0 : i32
    return %arg0, %c0_i32 : i32, i32
  }
  func.func @transform_6(%arg0: i32) -> (i32, i32) {
    %c0_i32 = arith.constant 0 : i32
    %c0_i32_0 = arith.constant 0 : i32
    return %arg0, %c0_i32 : i32, i32
  }
  func.func @transform_7(%arg0: i32) -> (i32, i32) {
    %c0_i32 = arith.constant 0 : i32
    %c0_i32_0 = arith.constant 0 : i32
    %c0_i32_1 = arith.constant 0 : i32
    return %c0_i32, %c0_i32_0 : i32, i32
  }
  func.func @transform_8(%arg0: i32) -> (i32, i32) {
    %c0_i32 = arith.constant 0 : i32
    %c0_i32_0 = arith.constant 0 : i32
    %c0_i32_1 = arith.constant 0 : i32
    return %c0_i32, %c0_i32_0 : i32, i32
  }
  func.func @transform_9(%arg0: i32) -> (i32, i32) {
    %c0_i32 = arith.constant 0 : i32
    %c0_i32_0 = arith.constant 0 : i32
    return %arg0, %c0_i32 : i32, i32
  }
}

module attributes {stable_mosaic.version = 14 : i64} {
  func.func @body(%arg0: i32, %arg1: memref<400x64xf32, #tpu.memory_space<vmem>>, %arg2: memref<400x64xf32, #tpu.memory_space<vmem>>, %arg3: memref<400x64xf32, #tpu.memory_space<vmem>>, %arg4: memref<400x1xf32, #tpu.memory_space<vmem>>, %arg5: memref<1x64xf32, #tpu.memory_space<vmem>>, %arg6: memref<400x64xf32, #tpu.memory_space<vmem>>) attributes {dimension_semantics = [#tpu.dimension_semantics<arbitrary>], iteration_bounds = array<i64: 25>, scalar_prefetch = 0 : i64, scratch_operands = 0 : i64, tpu.core_type = #tpu.core_type<tc>, window_params = [{transform_indices = @transform_0, window_bounds = array<i64: 400, 64>}, {transform_indices = @transform_1, window_bounds = array<i64: 400, 64>}, {transform_indices = @transform_2, window_bounds = array<i64: 400, 64>}, {transform_indices = @transform_3, window_bounds = array<i64: 400, 1>}, {pipeline_mode = #tpu.pipeline_mode<synchronous>, transform_indices = @transform_4, window_bounds = array<i64: 1, 64>}, {transform_indices = @transform_5, window_bounds = array<i64: 400, 64>}]} {
    %get3A = arith.constant 0 : index
    %get3A_0 = arith.constant 0 : index
    %get3A_1 = vector.load %arg4[%get3A, %get3A_0] : memref<400x1xf32, #tpu.memory_space<vmem>>, vector<400x1xf32>
    %get3A_2 = arith.constant 0 : index
    %get3A_3 = arith.constant 0 : index
    %get3A_4 = vector.load %arg1[%get3A_2, %get3A_3] : memref<400x64xf32, #tpu.memory_space<vmem>>, vector<400x64xf32>
    %get3A_5 = arith.constant 0 : index
    %get3A_6 = arith.constant 0 : index
    %get3A_7 = vector.load %arg2[%get3A_5, %get3A_6] : memref<400x64xf32, #tpu.memory_space<vmem>>, vector<400x64xf32>
    %add3A = arith.addf %get3A_4, %get3A_7 : vector<400x64xf32>
    %get3A_8 = arith.constant 0 : index
    %get3A_9 = arith.constant 0 : index
    %get3A_10 = vector.load %arg3[%get3A_8, %get3A_9] : memref<400x64xf32, #tpu.memory_space<vmem>>, vector<400x64xf32>
    %sub3A = arith.subf %add3A, %get3A_10 : vector<400x64xf32>
    %mul3A = vector.broadcast %get3A_1 : vector<400x1xf32> to vector<400x64xf32>
    %mul3A_11 = arith.mulf %mul3A, %sub3A : vector<400x64xf32>
    %get3A_12 = arith.constant 0 : index
    %get3A_13 = arith.constant 0 : index
    %get3A_14 = vector.load %arg5[%get3A_12, %get3A_13] : memref<1x64xf32, #tpu.memory_space<vmem>>, vector<1x64xf32>
    %add3A_15 = vector.broadcast %get3A_14 : vector<1x64xf32> to vector<400x64xf32>
    %add3A_16 = arith.addf %mul3A_11, %add3A_15 : vector<400x64xf32>
    %swap3A = arith.constant 0 : index
    %swap3A_17 = arith.constant 0 : index
    %swap3A_18 = vector.load %arg6[%swap3A, %swap3A_17] : memref<400x64xf32, #tpu.memory_space<vmem>>, vector<400x64xf32>
    tpu.vector_store %arg6[%swap3A, %swap3A_17], %add3A_16 {strides = array<i32>} : memref<400x64xf32, #tpu.memory_space<vmem>>, vector<400x64xf32>,
    return
  }
  func.func @transform_0(%arg0: i32) -> (i32, i32) {
    %c0_i32 = arith.constant 0 : i32
    %c0_i32_0 = arith.constant 0 : i32
    return %arg0, %c0_i32 : i32, i32
  }
  func.func @transform_1(%arg0: i32) -> (i32, i32) {
    %c0_i32 = arith.constant 0 : i32
    %c0_i32_0 = arith.constant 0 : i32
    return %arg0, %c0_i32 : i32, i32
  }
  func.func @transform_2(%arg0: i32) -> (i32, i32) {
    %c0_i32 = arith.constant 0 : i32
    %c0_i32_0 = arith.constant 0 : i32
    return %arg0, %c0_i32 : i32, i32
  }
  func.func @transform_3(%arg0: i32) -> (i32, i32) {
    %c0_i32 = arith.constant 0 : i32
    %c0_i32_0 = arith.constant 0 : i32
    return %arg0, %c0_i32 : i32, i32
  }
  func.func @transform_4(%arg0: i32) -> (i32, i32) {
    %c0_i32 = arith.constant 0 : i32
    %c0_i32_0 = arith.constant 0 : i32
    %c0_i32_1 = arith.constant 0 : i32
    return %c0_i32, %c0_i32_0 : i32, i32
  }
  func.func @transform_5(%arg0: i32) -> (i32, i32) {
    %c0_i32 = arith.constant 0 : i32
    %c0_i32_0 = arith.constant 0 : i32
    return %arg0, %c0_i32 : i32, i32
  }
}

</mosaic_0001>

<sc_bundles>
// kernel: kernel.11.cloned.1.call-start
scs
__scs_entry_jumppad:
0x0: {  	(pc) =	sbr.rel $0x88, $3  }
0x1: {  	(tag) =	ssettag $0x0;
	lr =	simm.s32 $0x1  }
0x2: {  	[smem:$0x3F9B] =	sst lr;
	_ =	strace $0xD0000000  }
0x3: {  	_ = 	snop  }
0x4: {  	_ = 	snop  }
0x5: {  	_ = 	snop  }
0x6: {  	_ = 	snop  }
0x7: {  	_ = 	snop  }
__scs_overlays_trampoline_lowered:
0x8: {  	[smem:$0x3FAA] =	sst s0  }
0x9: {  	[smem:$0x3FAB] =	sst s1  }
0xa: {  	[smem:$0x3FAC] =	sst s2  }
0xb: {  	[smem:$0x3FAD] =	sst s3  }
0xc: {  	[smem:$0x3FAE] =	sst s4  }
0xd: {  	[smem:$0x3FAF] =	sst s5  }
0xe: {  	[smem:$0x3FB0] =	sst s6  }
0xf: {  	[smem:$0x3FB1] =	sst s7  }
0x10: {  	[smem:$0x3FB2] =	sst s8  }
0x11: {  	[smem:$0x3FB3] =	sst s9;
	s0 =	simm.s32 @!p0 $0x0  }
0x12: {  	s1 =	sld [smem:$0x3F99];
	s0 =	simm.s32 @p0 $0x1  }
0x13: {  	[smem:$0x3FB4] =	sst s0;
	s0 =	simm.s32 @!p1 $0x0  }
0x14: {  	s2 =	sld [smem:$0x3F98];
	s0 =	simm.s32 @p1 $0x1  }
0x15: {  	[smem:$0x3FB5] =	sst s0;
	s0 =	simm.s32 @!p2 $0x0  }
0x16: {  	s3 =	sld [smem:$0x3FDB];
	s0 =	simm.s32 @p2 $0x1  }
0x17: {  	s4 =	simm.s32 $0x1BF5;
	[smem:$0x3FB7] =	sst s0  }
0x18: {  	s0 =	sld [smem:$0x3F9A];
	_ =	swait.ge [sflag:s4], $0x0  }
0x19: {  	s7 =	sld [smem:$0x3F9B]  }
0x1a: {  	s8 =	sadd.s32 $0xFFFFE003, lr  }
0x1b: {  	s9 =	sadd.s32 $0xFFFFFEF7, lr;
	s5 =	simm.s32 $0xFFFFFFFF;
	p2 =	slt.u32 s8, $0xFFFFF086  }
0x1c: {  	p1 =	slt.u32 s9, $0xF7A;
	s5 =	simm.s32 @!p2 $0x0  }
0x1d: {  	s5 =	simm.s32 @p1 $0x1;
	p0 =	seq.s32 s7, s2  }
0x1e: {  	s7 =	smul.u32 @!p0 $0xF7A, s2;
	p2 =	seq.s32 @!p0 s5, $0x0  }
0x1f: {  	s9 =	smul.u32 $0xF7A, s1;
	s8 =	simm.s32 @!p0 $0x1BF5;
	p2 =	por !p2, p0  }
0x20: {  	[sflag:s8] =	ssyncset.s32 @!p0 $0xFFFFF086;
	s6 =	sadd.s32 @!p0 s3, s7;
	s7 =	simm.s32 @!p0 $0x108  }
0x21: {  	s3 =	sadd.s32 s3, s9;
	s6 =	sadd.s32 @!p0 $0x88, s6;
	s7 =	simm.s32 @p2 $0x1082  }
0x22: {  	[simem:s7], [sflag:s8] =	dma.local @!p0 [hbm:s6], $0xF7A  }
0x23: {  	s9 =	sor.u32 $0xD0000000, s2;
	s6 =	simm.s32 $0x108;
	_ =	swait.ge @!p0 [sflag:s8], $0x0  }
0x24: {  	s3 =	sadd.s32 $0x88, s3;
	s6 =	simm.s32 @!p1 $0x1082;
	[sflag:s4] =	ssyncset.s32 $0xFFFFF086  }
0x25: {  	[simem:s6], [sflag:s4] =	dma.local [hbm:s3], $0xF7A  }
0x26: {  	[smem:$0x3F9B] =	sst s1;
	(tag) =	ssettag s2;
	_ =	strace s9  }
0x27: {  	s1 =	sld [smem:$0x3FAB]  }
0x28: {  	s2 =	sld [smem:$0x3FAC]  }
0x29: {  	s4 =	sld [smem:$0x3FAE]  }
0x2a: {  	p0 =	seq.s32 s5, $0x0;
	s5 =	sld [smem:$0x3FAF]  }
0x2b: {  	s6 =	sld [smem:$0x3FB0]  }
0x2c: {  	s7 =	sld [smem:$0x3FB1]  }
0x2d: {  	s3 =	simm.s32 $0x108;
	s8 =	sld [smem:$0x3FB2]  }
0x2e: {  	s3 =	simm.s32 @!p0 $0x1082;
	s9 =	sld [smem:$0x3FB3]  }
0x2f: {  	lr =	sadd.s32 s0, s3;
	s0 =	sld [smem:$0x3FAA]  }
0x30: {  	s3 =	sld [smem:$0x3FAD]  }
0x31: {  	[smem:$0x3FB6] =	sst s10  }
0x32: {  	s10 =	sld [smem:$0x3FB4];
	_ =	sdelay $0x3  }
0x33: {  	p0 =	seq.s32 s10, $0x1;
	s10 =	sld [smem:$0x3FB6];
	_ =	sdelay $0x3  }
0x34: {  	[smem:$0x3FB6] =	sst s10  }
0x35: {  	s10 =	sld [smem:$0x3FB5];
	_ =	sdelay $0x3  }
0x36: {  	p1 =	seq.s32 s10, $0x1;
	s10 =	sld [smem:$0x3FB6];
	_ =	sdelay $0x3  }
0x37: {  	[smem:$0x3FB6] =	sst s10  }
0x38: {  	s10 =	sld [smem:$0x3FB7]  }
0x39: {  	_ = 	snop;
	(pc) =	sbr.ind lr, $3  }
0x3a: {  	_ = 	snop  }
0x3b: {  	_ = 	snop  }
0x3c: {  	p2 =	seq.s32 s10, $0x1;
	s10 =	sld [smem:$0x3FB6]  }
0x3d: {  	_ =	shalt  }
0x3e: {  	_ =	shalt  }
0x3f: {  	_ =	shalt  }
0x40: {  	_ =	shalt  }
0x41: {  	_ =	shalt  }
0x42: {  	_ =	shalt  }
0x43: {  	_ =	shalt  }
0x44: {  	_ =	shalt  }
0x45: {  	_ =	shalt  }
0x46: {  	_ =	shalt  }
0x47: {  	_ =	shalt  }
0x48: {  	_ =	shalt  }
0x49: {  	_ =	shalt  }
0x4a: {  	_ =	shalt  }
0x4b: {  	_ =	shalt  }
0x4c: {  	_ =	shalt  }
0x4d: {  	_ =	shalt  }
0x4e: {  	_ =	shalt  }
0x4f: {  	_ =	shalt  }
0x50: {  	_ =	shalt  }
0x51: {  	_ =	shalt  }
0x52: {  	_ =	shalt  }
0x53: {  	_ =	shalt  }
0x54: {  	_ =	shalt  }
0x55: {  	_ =	shalt  }
0x56: {  	_ =	shalt  }
0x57: {  	_ =	shalt  }
0x58: {  	_ =	shalt  }
0x59: {  	_ =	shalt  }
0x5a: {  	_ =	shalt  }
0x5b: {  	_ =	shalt  }
0x5c: {  	_ =	shalt  }
0x5d: {  	_ =	shalt  }
0x5e: {  	_ =	shalt  }
0x5f: {  	_ =	shalt  }
0x60: {  	_ =	shalt  }
0x61: {  	_ =	shalt  }
0x62: {  	_ =	shalt  }
0x63: {  	_ =	shalt  }
0x64: {  	_ =	shalt  }
0x65: {  	_ =	shalt  }
0x66: {  	_ =	shalt  }
0x67: {  	_ =	shalt  }
0x68: {  	_ =	shalt  }
0x69: {  	_ =	shalt  }
0x6a: {  	_ =	shalt  }
0x6b: {  	_ =	shalt  }
0x6c: {  	_ =	shalt  }
0x6d: {  	_ =	shalt  }
0x6e: {  	_ =	shalt  }
0x6f: {  	_ =	shalt  }
0x70: {  	_ =	shalt  }
0x71: {  	_ =	shalt  }
0x72: {  	_ =	shalt  }
0x73: {  	_ =	shalt  }
0x74: {  	_ =	shalt  }
0x75: {  	_ =	shalt  }
0x76: {  	_ =	shalt  }
0x77: {  	_ =	shalt  }
0x78: {  	_ =	shalt  }
0x79: {  	_ =	shalt  }
0x7a: {  	_ =	shalt  }
0x7b: {  	_ =	shalt  }
0x7c: {  	_ =	shalt  }
0x7d: {  	_ =	shalt  }
0x7e: {  	_ =	shalt  }
0x7f: {  	_ =	shalt  }
0x80: {  	_ =	shalt  }
0x81: {  	_ =	shalt  }
0x82: {  	_ =	shalt  }
0x83: {  	_ =	shalt  }
0x84: {  	_ =	shalt  }
0x85: {  	_ =	shalt  }
0x86: {  	_ =	shalt  }
0x87: {  	_ =	shalt  }
.Lfunc_end0:
.L_simem_size_0:
called_computation.1_lowered:
.L_overlay_start_0:
0x88: {  	s2 =	sld [smem:$0x3FD9]  }
0x89: {  	s3 =	sld [smem:$0x3FFE];
	_ =	sdelay $0x1  }
0x8a: {  	s1 =	srdreg.scid  }
0x8b: {  	s0 =	sand.u32 $0x1, s1  }
0x8c: {  	s17 =	sshll.u32 s0, $0xA;
	s2 =	sadd.s32 s3, s2  }
0x8d: {  	s2 =	sadd.s32 s2, s17  }
0x8e: {  	[smem:$0x3FC2] =	sst s2  }
0x8f: {  	_ = 	snop  }
0x90: {  	s2 =	sld [smem:$0x3FD0];
	(tm) =	ssettm $0x1  }
0x91: {  	s18 =	sld [smem:$0x3FFB];
	_ =	sdelay $0x3  }
0x92: {  	_ =	strace s18  }
0x93: {  	s3 =	sld [smem:$0x3FFC];
	_ =	sdelay $0x3  }
0x94: {  	_ =	strace s3  }
0x95: {  	s3 =	sld [smem:$0x3FFD];
	_ =	sdelay $0x3  }
0x96: {  	_ =	strace s3  }
0x97: {  	_ =	strace $0x8FFFFFFF  }
0x98: {  	s19 =	sld [smem:$0x3FDB];
	_ =	sdelay $0x1  }
0x99: {  	s4 =	simm.s32 $_scs_section_size  }
0x9a: {  	s5 =	simm.s32 $_size__tile_overlayer_lowered;
	s6 =	simm.s32 $_tile_overlayer_lowered  }
0x9b: {  	s22 =	simm.s32 $0x1BFF;
	s21 =	sshll.u32 s6, $0x1;
	s3 =	sadd.s32 s4, s19  }
0x9c: {  	s7 =	simm.s32 $0x0;
	s20 =	sshll.u32 s5, $0x1;
	s5 =	sadd.s32 s21, s3  }
0x9d: {  	[timem:s7], [sflag:s22] =	dma.local [hbm:s5], s20  }
0x9e: {  	_ =	swait.ge [sflag:s22], s20  }
0x9f: {  	s4 =	ssub.s32 $0x0, s20;
	[sflag:s22] =	ssyncset.done $0x0  }
0xa0: {  	[sflag:s22] =	ssyncadd.s32 s4;
	_ =	sdelay $0x1  }
0xa1: {  	s23 =	simm.s32 $0x1B8B  }
0xa2: {  	_ =	swait.ge [sflag:s23], $0x1  }
0xa3: {  	[sflag:s23] =	ssyncset.done $0x0  }
0xa4: {  	s25 =	simm.s32 $0x1B8E;
	s24 =	sld [smem:$0x3FFE];
	[sflag:s23] =	ssyncadd.s32 $0xFFFFFFFF  }
0xa5: {  	s26 =	simm.s32 $execute0_lowered;
	[smem:$0x3FD2] =	sst s25  }
0xa6: {  	s5 =	sshll.u32 s26, $0x1;
	_ =	strace $0x80000049;
	[dreg:$0x1] =	wrdreg $0xFFFFFFFF  }
0xa7: {  	s28 =	simm.s32 $_size_execute0_lowered;
	s3 =	sadd.s32 s3, s5;
	[dreg:$0x0] =	wrdreg $0x0  }
0xa8: {  	s5 =	sshll.u32 s28, $0x1;
	[dreg:$0x2] =	wrdreg s3  }
0xa9: {  	[dreg:$0x3] =	wrdreg s5  }
0xaa: {  	[dreg:$0x4] =	wrdreg $0xC0  }
0xab: {  	_ =	task [dreg:s7], $0x5FFFF  }
0xac: {  	[dreg:$0x1] =	wrdreg $0xFFFFFFFF  }
0xad: {  	[dreg:$0x0] =	wrdreg $0x60  }
0xae: {  	[dreg:$0x2] =	wrdreg s24  }
0xaf: {  	[dreg:$0x3] =	wrdreg s2  }
0xb0: {  	[dreg:$0x4] =	wrdreg $0x68000  }
0xb1: {  	[dreg:$0x5] =	wrdreg $0x108000  }
0xb2: {  	[dreg:$0x6] =	wrdreg $0x9  }
0xb3: {  	_ =	task.clear_ibuf [dreg:s7], $0x7FFFF;
	_ =	strace $0x90000049  }
0xb4: {  	s29 =	simm.s32 $0x9;
	_ =	strace $0x8000004B  }
0xb5: {  	_ =	swait.ge [sflag:s29], $0x1  }
0xb6: {  	[sflag:s29] =	ssyncadd.s32 $0xFFFFFFFF  }
0xb7: {  	_ =	strace $0x9000004B  }
0xb8: {  	_ =	sfence  }
0xb9: {  	s30 =	sld [smem:$0x0];
	_ =	sdelay $0x2  }
0xba: {  	s31 =	sshll.u32 s1, $0xD;
	s1 =	sshrl.u32 s1, $0x2  }
0xbb: {  	s3 =	sand.u32 $0x4000, s31;
	s1 =	sadd.s32 s1, s30  }
0xbc: {  	s0 =	sor.u32 s3, s0;
	s1 =	sshll.u32 s1, $0x11  }
0xbd: {  	s0 =	sor.u32 s1, s0  }
0xbe: {  	s0 =	sadd.s32 $0x8F2B, s0  }
0xbf: {  	[sflag:s0] =	ssyncadd.remote.s32 $0x1  }
0xc0: {  	_ =	sfence.sel $0xFFFF  }
0xc1: {  	[dreg:$0x0] =	wrdreg $0xFFFFFFFF;
	(pc) =	sbr.abs _section_cstart, $3  }
0xc2: {  	[dreg:$0x1] =	wrdreg $0xFFFFFFFF  }
0xc3: {  	_ =	task.clear_ibuf [dreg:s7], $0x2FFFF;
	_ =	strace $0x9FFFFFFF  }
0xc4: {  	(tm) =	ssettm $0x7FFFFFFF  }
0xc5: {  	_ =	shalt  }
tec
execute0_lowered:
.L_overlay_start_1:
0x0: {  	(tag) =	ssettag $0x1  }
0x1: {  	s5 =	rddreg [dreg:$0x0]  }
0x2: {  	s12 =	rddreg [dreg:$0x1]  }
0x3: {  	s2 =	rddreg [dreg:$0x2]  }
0x4: {  	s3 =	rddreg [dreg:$0x3];
	s0 =	stileid.u32  }
0x5: {  	s4 =	simm.s32 $0x0;
	s6 =	srdreg.scid;
	s21 =	simm.s32 $0x1  }
0x6: {  	s22 =	simm.s32 $0x4800;
	s23 =	simm.s32 $0x2;
	s24 =	simm.s32 $0x3  }
0x7: {  	s25 =	simm.s32 $0x4;
	s26 =	simm.s32 $0x1380;
	s28 =	simm.s32 $0x2700  }
0x8: {  	s29 =	simm.s32 $0x2780;
	s30 =	simm.s32 $0x0;
	s7 =	smul.u32 $0xA000, s0  }
0x9: {  	[smem:$0x7FF] =	sst s4;
	s11 =	sadd.s32 $0xE000, s5;
	s9 =	sand.u32 $0x1, s6  }
0xa: {  	s13 =	sadd.s32 $0xCC000, s5;
	s15 =	sadd.s32 $0xB8000, s5;
	s16 =	sadd.s32 $0xE0000, s5  }
0xb: {  	s17 =	sshll.u32 s0, $0x1;
	s18 =	sadd.s32 $0xF4000, s5;
	s31 =	sshll.u32 s0, $0x6  }
0xc: {  	_ =	strace $0x8000004A;
	s6 =	ssub.s32 $0x2, s9;
	s17 =	sor.u32 s9, s17  }
0xd: {  	p0 =	seq.s32 s9, $0x0;
	s14 =	sshrl.u32 s7, $0x3;
	s10 =	sshrl.u32 s6, $0x1  }
0xe: {  	s19 =	sadd.s32 s7, s2;
	s20 =	sadd.s32 s7, s3;
	s17 =	smul.u32 $0x500, s17  }
0xf: {  	s15 =	smov.u32 @p0 s13;
	s18 =	smov.u32 @p0 s16;
	s16 =	simm.s32 $0x5  }
0x10: {  	s8 =	sadd.s32 s14, s5;
	s10 =	ssub.s32 s6, s10;
	s6 =	sor.u32 $0x1C05, s31  }
0x11: {  	s13 =	sadd.s32 s15, s14;
	s14 =	sadd.s32 s18, s14;
	s15 =	sshrl.u32 s19, $0x3  }
0x12: {  	s5 =	sadd.s32 $0x90000, s8;
	s7 =	sadd.s32 $0xA4000, s8;
	s8 =	smax.u32 s10, $0x1  }
0x13: {  	s9 =	sadd.s32 s11, s17;
	s10 =	sadd.s32 s12, s17;
	s17 =	sadd.s32 $0x280, s17  }
0x14: {  	s18 =	simm.s32 $0x1400;
	s19 =	simm.s32 $0x80;
	s11 =	sadd.s32 s11, s17  }
0x15: {  	s12 =	sadd.s32 s12, s17;
	s17 =	sshrl.u32 s20, $0x3;
	s20 =	simm.s32 $0x2800  }
.LBB2_1:
0x16: {  	[spmem:s15], [sflag:s6] =	dma.local [hbm:s5], $0x1400  }
0x17: {  	_ =	swait.ge [sflag:s16], $0x1400  }
0x18: {  	[sflag:s16] =	ssyncset.done $0x0  }
0x19: {  	[sflag:s16] =	ssyncadd.s32 $0xFFFFEC00  }
0x1a: {  	[spmem:s17], [sflag:s6] =	dma.local [hbm:s5], $0x1400  }
0x1b: {  	_ =	swait.ge [sflag:s16], $0x1400  }
0x1c: {  	[sflag:s16] =	ssyncset.done $0x0  }
0x1d: {  	[sflag:s16] =	ssyncadd.s32 $0xFFFFEC00  }
0x1e: {  	[bflag:$0x0] =	sbarrier.arrive $0xFFFF  }
0x1f: {  	[tilespmem:s4], [sflag:$0x5] =	stream.linear.gather [hbm4b:s9+s4], $0x1400, $0x38;
	[tilespmem:$0x1A800] =	vst v63  }
0x20: {  	_ =	swait.ge [sflag:s16], $0x1400  }
0x21: {  	[sflag:s16] =	ssyncset.done $0x0  }
0x22: {  	[sflag:s16] =	ssyncadd.s32 $0xFFFFEC00  }
0x23: {  	[tilespmem:s18], [sflag:$0x5] =	stream.linear.gather [hbm4b:s10+s4], $0x1400, $0x38;
	[tilespmem:$0x1A800] =	vst v63  }
0x24: {  	_ =	swait.ge [sflag:s16], $0x1400  }
0x25: {  	[sflag:s16] =	ssyncset.done $0x0  }
0x26: {  	[sflag:s16] =	ssyncadd.s32 $0xFFFFEC00  }
0x27: {  	[tilespmem:s20], [sflag:$0x1] =	stream.indirect.gather [spmem:s3], $0x40, s4, s19, $0xb8;
	[tilespmem:$0x1A800] =	vst v63  }
0x28: {  	_ =	swait.ge [sflag:s21], $0x2000  }
0x29: {  	[sflag:s21] =	ssyncset.done $0x0  }
0x2a: {  	s31 =	simm.s32 $0x80;
	[sflag:s21] =	ssyncadd.s32 $0xFFFFE000  }
0x2b: {  	[tilespmem:s22], [sflag:$0x2] =	stream.indirect.gather [spmem:s3], $0x40, s31, s19, $0xb8;
	[tilespmem:$0x1A800] =	vst v63  }
0x2c: {  	s31 =	simm.s32 $0x1400  }
0x2d: {  	[spmem:s2] =	stream.indirect.scatter.add.f32 [tilespmem:s20], [sflag:$0x3], $0x40, s31, s19, $0xb8;
	[tilespmem:$0x1A800] =	vst v63  }
0x2e: {  	_ =	swait.ge [sflag:s23], $0x2000  }
0x2f: {  	[sflag:s23] =	ssyncset.done $0x0  }
0x30: {  	[sflag:s23] =	ssyncadd.s32 $0xFFFFE000  }
0x31: {  	_ =	swait.ge [sflag:s24], $0x2000  }
0x32: {  	[sflag:s24] =	ssyncset.done $0x0  }
0x33: {  	s31 =	simm.s32 $0x100;
	[sflag:s24] =	ssyncadd.s32 $0xFFFFE000  }
0x34: {  	[tilespmem:s20], [sflag:$0x1] =	stream.indirect.gather [spmem:s3], $0x40, s31, s19, $0xb8;
	[tilespmem:$0x1A800] =	vst v63  }
0x35: {  	s31 =	simm.s32 $0x1480  }
0x36: {  	[spmem:s2] =	stream.indirect.scatter.add.f32 [tilespmem:s22], [sflag:$0x4], $0x40, s31, s19, $0xb8;
	[tilespmem:$0x1A800] =	vst v63  }
0x37: {  	_ =	swait.ge [sflag:s25], $0x2000  }
0x38: {  	s31 =	simm.s32 $0x400;
	[sflag:s25] =	ssyncset.done $0x0  }
.LBB2_2:
0x39: {  	p0 =	sne.s32 s31, $0x4800  }
0x3a: {  	[sflag:s25] =	ssyncadd.s32 $0xFFFFE000;
	s0 =	smov.u32 s31;
	s31 =	sadd.s32 $0x400, s31  }
0x3b: {  	_ = 	snop  }
0x3c: {  	_ =	swait.ge [sflag:s21], $0x2000  }
0x3d: {  	s0 =	sshra.s32 s0, $0x2;
	[sflag:s21] =	ssyncset.done $0x0  }
0x3e: {  	s1 =	sadd.s32 $0x80, s0;
	[sflag:s21] =	ssyncadd.s32 $0xFFFFE000  }
0x3f: {  	[tilespmem:s22], [sflag:$0x2] =	stream.indirect.gather [spmem:s3], $0x40, s1, s19, $0xb8;
	[tilespmem:$0x1A800] =	vst v63  }
0x40: {  	s1 =	sadd.s32 $0x1400, s0  }
0x41: {  	[spmem:s2] =	stream.indirect.scatter.add.f32 [tilespmem:s20], [sflag:$0x3], $0x40, s1, s19, $0xb8;
	[tilespmem:$0x1A800] =	vst v63  }
0x42: {  	_ =	swait.ge [sflag:s23], $0x2000  }
0x43: {  	[sflag:s23] =	ssyncset.done $0x0  }
0x44: {  	[sflag:s23] =	ssyncadd.s32 $0xFFFFE000  }
0x45: {  	_ =	swait.ge [sflag:s24], $0x2000  }
0x46: {  	[sflag:s24] =	ssyncset.done $0x0  }
0x47: {  	s1 =	sadd.s32 $0x100, s0;
	[sflag:s24] =	ssyncadd.s32 $0xFFFFE000  }
0x48: {  	[tilespmem:s20], [sflag:$0x1] =	stream.indirect.gather [spmem:s3], $0x40, s1, s19, $0xb8;
	[tilespmem:$0x1A800] =	vst v63  }
.Ltmp0:
0x49: {  	_ = 	snop;
	(pc) =	sbr.rel @p0 .LBB2_2-.Ltmp0, $4  }
0x4a: {  	s0 =	sadd.s32 $0x1480, s0  }
0x4b: {  	[spmem:s2] =	stream.indirect.scatter.add.f32 [tilespmem:s22], [sflag:$0x4], $0x40, s0, s19, $0xb8;
	[tilespmem:$0x1A800] =	vst v63  }
0x4c: {  	_ =	swait.ge [sflag:s25], $0x2000  }
0x4d: {  	[sflag:s25] =	ssyncset.done $0x0  }
0x4e: {  	[sflag:s25] =	ssyncadd.s32 $0xFFFFE000  }
0x4f: {  	_ =	swait.ge [sflag:s21], $0x2000  }
0x50: {  	[sflag:s21] =	ssyncset.done $0x0  }
0x51: {  	[sflag:s21] =	ssyncadd.s32 $0xFFFFE000  }
0x52: {  	[tilespmem:s22], [sflag:$0x2] =	stream.indirect.gather [spmem:s3], $0x40, s26, s19, $0xb8;
	[tilespmem:$0x1A800] =	vst v63  }
0x53: {  	_ = 	snop  }
0x54: {  	[spmem:s2] =	stream.indirect.scatter.add.f32 [tilespmem:s20], [sflag:$0x3], $0x40, s28, s19, $0xb8;
	[tilespmem:$0x1A800] =	vst v63  }
0x55: {  	_ =	swait.ge [sflag:s23], $0x2000  }
0x56: {  	[sflag:s23] =	ssyncset.done $0x0  }
0x57: {  	[sflag:s23] =	ssyncadd.s32 $0xFFFFE000  }
0x58: {  	_ =	swait.ge [sflag:s24], $0x2000  }
0x59: {  	[sflag:s24] =	ssyncset.done $0x0  }
0x5a: {  	[sflag:s24] =	ssyncadd.s32 $0xFFFFE000  }
0x5b: {  	[spmem:s2] =	stream.indirect.scatter.add.f32 [tilespmem:s22], [sflag:$0x5], $0x40, s29, s19, $0xb8;
	[tilespmem:$0x1A800] =	vst v63  }
0x5c: {  	_ =	swait.ge [sflag:s16], $0x2000  }
0x5d: {  	[sflag:s16] =	ssyncset.done $0x0  }
0x5e: {  	s0 =	simm.s32 $0x0;
	[sflag:s16] =	ssyncadd.s32 $0xFFFFE000  }
0x5f: {  	[tilespmem:s0], [sflag:$0x5] =	stream.linear.gather [hbm4b:s11+s0], $0x1400, $0x38;
	[tilespmem:$0x1A800] =	vst v63  }
0x60: {  	_ =	swait.ge [sflag:s16], $0x1400  }
0x61: {  	[sflag:s16] =	ssyncset.done $0x0  }
0x62: {  	[sflag:s16] =	ssyncadd.s32 $0xFFFFEC00  }
0x63: {  	[tilespmem:s18], [sflag:$0x5] =	stream.linear.gather [hbm4b:s12+s0], $0x1400, $0x38;
	[tilespmem:$0x1A800] =	vst v63  }
0x64: {  	_ =	swait.ge [sflag:s16], $0x1400  }
0x65: {  	[sflag:s16] =	ssyncset.done $0x0  }
0x66: {  	[sflag:s16] =	ssyncadd.s32 $0xFFFFEC00  }
0x67: {  	[tilespmem:s20], [sflag:$0x1] =	stream.indirect.gather [spmem:s3], $0x40, s0, s19, $0xb8;
	[tilespmem:$0x1A800] =	vst v63  }
0x68: {  	_ =	swait.ge [sflag:s21], $0x2000  }
0x69: {  	[sflag:s21] =	ssyncset.done $0x0  }
0x6a: {  	s1 =	simm.s32 $0x80;
	[sflag:s21] =	ssyncadd.s32 $0xFFFFE000  }
0x6b: {  	[tilespmem:s22], [sflag:$0x2] =	stream.indirect.gather [spmem:s3], $0x40, s1, s19, $0xb8;
	[tilespmem:$0x1A800] =	vst v63  }
0x6c: {  	s1 =	simm.s32 $0x1400  }
0x6d: {  	[spmem:s2] =	stream.indirect.scatter.add.f32 [tilespmem:s20], [sflag:$0x3], $0x40, s1, s19, $0xb8;
	[tilespmem:$0x1A800] =	vst v63  }
0x6e: {  	_ =	swait.ge [sflag:s23], $0x2000  }
0x6f: {  	[sflag:s23] =	ssyncset.done $0x0  }
0x70: {  	[sflag:s23] =	ssyncadd.s32 $0xFFFFE000  }
0x71: {  	_ =	swait.ge [sflag:s24], $0x2000  }
0x72: {  	[sflag:s24] =	ssyncset.done $0x0  }
0x73: {  	s1 =	simm.s32 $0x100;
	[sflag:s24] =	ssyncadd.s32 $0xFFFFE000  }
0x74: {  	[tilespmem:s20], [sflag:$0x1] =	stream.indirect.gather [spmem:s3], $0x40, s1, s19, $0xb8;
	[tilespmem:$0x1A800] =	vst v63  }
0x75: {  	s1 =	simm.s32 $0x1480  }
0x76: {  	[spmem:s2] =	stream.indirect.scatter.add.f32 [tilespmem:s22], [sflag:$0x4], $0x40, s1, s19, $0xb8;
	[tilespmem:$0x1A800] =	vst v63  }
0x77: {  	_ =	swait.ge [sflag:s25], $0x2000  }
0x78: {  	s31 =	simm.s32 $0x400;
	[sflag:s25] =	ssyncset.done $0x0  }
.LBB2_4:
0x79: {  	p0 =	sne.s32 s31, $0x4800  }
0x7a: {  	[sflag:s25] =	ssyncadd.s32 $0xFFFFE000;
	s0 =	smov.u32 s31;
	s31 =	sadd.s32 $0x400, s31  }
0x7b: {  	_ = 	snop  }
0x7c: {  	_ =	swait.ge [sflag:s21], $0x2000  }
0x7d: {  	s0 =	sshra.s32 s0, $0x2;
	[sflag:s21] =	ssyncset.done $0x0  }
0x7e: {  	s1 =	sadd.s32 $0x80, s0;
	[sflag:s21] =	ssyncadd.s32 $0xFFFFE000  }
0x7f: {  	[tilespmem:s22], [sflag:$0x2] =	stream.indirect.gather [spmem:s3], $0x40, s1, s19, $0xb8;
	[tilespmem:$0x1A800] =	vst v63  }
0x80: {  	s1 =	sadd.s32 $0x1400, s0  }
0x81: {  	[spmem:s2] =	stream.indirect.scatter.add.f32 [tilespmem:s20], [sflag:$0x3], $0x40, s1, s19, $0xb8;
	[tilespmem:$0x1A800] =	vst v63  }
0x82: {  	_ =	swait.ge [sflag:s23], $0x2000  }
0x83: {  	[sflag:s23] =	ssyncset.done $0x0  }
0x84: {  	[sflag:s23] =	ssyncadd.s32 $0xFFFFE000  }
0x85: {  	_ =	swait.ge [sflag:s24], $0x2000  }
0x86: {  	[sflag:s24] =	ssyncset.done $0x0  }
0x87: {  	s1 =	sadd.s32 $0x100, s0;
	[sflag:s24] =	ssyncadd.s32 $0xFFFFE000  }
0x88: {  	[tilespmem:s20], [sflag:$0x1] =	stream.indirect.gather [spmem:s3], $0x40, s1, s19, $0xb8;
	[tilespmem:$0x1A800] =	vst v63  }
.Ltmp1:
0x89: {  	_ = 	snop;
	(pc) =	sbr.rel @p0 .LBB2_4-.Ltmp1, $4  }
0x8a: {  	s0 =	sadd.s32 $0x1480, s0  }
0x8b: {  	[spmem:s2] =	stream.indirect.scatter.add.f32 [tilespmem:s22], [sflag:$0x4], $0x40, s0, s19, $0xb8;
	[tilespmem:$0x1A800] =	vst v63  }
0x8c: {  	_ =	swait.ge [sflag:s25], $0x2000  }
0x8d: {  	[sflag:s25] =	ssyncset.done $0x0  }
0x8e: {  	[sflag:s25] =	ssyncadd.s32 $0xFFFFE000  }
0x8f: {  	_ =	swait.ge [sflag:s21], $0x2000  }
0x90: {  	[sflag:s21] =	ssyncset.done $0x0  }
0x91: {  	[sflag:s21] =	ssyncadd.s32 $0xFFFFE000  }
0x92: {  	[tilespmem:s22], [sflag:$0x2] =	stream.indirect.gather [spmem:s3], $0x40, s26, s19, $0xb8;
	[tilespmem:$0x1A800] =	vst v63  }
0x93: {  	_ = 	snop  }
0x94: {  	[spmem:s2] =	stream.indirect.scatter.add.f32 [tilespmem:s20], [sflag:$0x3], $0x40, s28, s19, $0xb8;
	[tilespmem:$0x1A800] =	vst v63  }
0x95: {  	_ =	swait.ge [sflag:s23], $0x2000  }
0x96: {  	[sflag:s23] =	ssyncset.done $0x0  }
0x97: {  	[sflag:s23] =	ssyncadd.s32 $0xFFFFE000  }
0x98: {  	_ =	swait.ge [sflag:s24], $0x2000  }
0x99: {  	[sflag:s24] =	ssyncset.done $0x0  }
0x9a: {  	[sflag:s24] =	ssyncadd.s32 $0xFFFFE000  }
0x9b: {  	[spmem:s2] =	stream.indirect.scatter.add.f32 [tilespmem:s22], [sflag:$0x5], $0x40, s29, s19, $0xb8;
	[tilespmem:$0x1A800] =	vst v63  }
0x9c: {  	_ =	swait.ge [sflag:s16], $0x2000  }
0x9d: {  	[sflag:s16] =	ssyncset.done $0x0  }
0x9e: {  	[sflag:s16] =	ssyncadd.s32 $0xFFFFE000  }
0x9f: {  	[bflag:$0x0] =	sbarrier.arrive $0xFFFF  }
0xa0: {  	[hbm:s13], [sflag:s6] =	dma.local [spmem:s15], $0x1400  }
0xa1: {  	_ =	swait.ge [sflag:s16], $0x1400  }
0xa2: {  	[sflag:s16] =	ssyncset.done $0x0  }
0xa3: {  	[sflag:s16] =	ssyncadd.s32 $0xFFFFEC00  }
0xa4: {  	[spmem:s15], [sflag:s6] =	dma.local [hbm:s7], $0x1400  }
0xa5: {  	_ =	swait.ge [sflag:s16], $0x1400  }
0xa6: {  	[sflag:s16] =	ssyncset.done $0x0  }
0xa7: {  	[sflag:s16] =	ssyncadd.s32 $0xFFFFEC00  }
0xa8: {  	[spmem:s17], [sflag:s6] =	dma.local [hbm:s7], $0x1400  }
0xa9: {  	_ =	swait.ge [sflag:s16], $0x1400  }
0xaa: {  	[sflag:s16] =	ssyncset.done $0x0  }
0xab: {  	[sflag:s16] =	ssyncadd.s32 $0xFFFFEC00  }
0xac: {  	s0 =	simm.s32 $0x0;
	[bflag:$0x0] =	sbarrier.arrive $0xFFFF  }
0xad: {  	[tilespmem:s0], [sflag:$0x5] =	stream.linear.gather [hbm4b:s9+s0], $0x1400, $0x38;
	[tilespmem:$0x1A800] =	vst v63  }
0xae: {  	_ =	swait.ge [sflag:s16], $0x1400  }
0xaf: {  	[sflag:s16] =	ssyncset.done $0x0  }
0xb0: {  	[sflag:s16] =	ssyncadd.s32 $0xFFFFEC00  }
0xb1: {  	[tilespmem:s18], [sflag:$0x5] =	stream.linear.gather [hbm4b:s10+s0], $0x1400, $0x38;
	[tilespmem:$0x1A800] =	vst v63  }
0xb2: {  	_ =	swait.ge [sflag:s16], $0x1400  }
0xb3: {  	[sflag:s16] =	ssyncset.done $0x0  }
0xb4: {  	[sflag:s16] =	ssyncadd.s32 $0xFFFFEC00  }
0xb5: {  	[tilespmem:s20], [sflag:$0x1] =	stream.indirect.gather [spmem:s3], $0x40, s0, s19, $0xb8;
	[tilespmem:$0x1A800] =	vst v63  }
0xb6: {  	_ =	swait.ge [sflag:s21], $0x2000  }
0xb7: {  	[sflag:s21] =	ssyncset.done $0x0  }
0xb8: {  	s1 =	simm.s32 $0x80;
	[sflag:s21] =	ssyncadd.s32 $0xFFFFE000  }
0xb9: {  	[tilespmem:s22], [sflag:$0x2] =	stream.indirect.gather [spmem:s3], $0x40, s1, s19, $0xb8;
	[tilespmem:$0x1A800] =	vst v63  }
0xba: {  	s1 =	simm.s32 $0x1400  }
0xbb: {  	[spmem:s2] =	stream.indirect.scatter.add.f32 [tilespmem:s20], [sflag:$0x3], $0x40, s1, s19, $0xb8;
	[tilespmem:$0x1A800] =	vst v63  }
0xbc: {  	_ =	swait.ge [sflag:s23], $0x2000  }
0xbd: {  	[sflag:s23] =	ssyncset.done $0x0  }
0xbe: {  	[sflag:s23] =	ssyncadd.s32 $0xFFFFE000  }
0xbf: {  	_ =	swait.ge [sflag:s24], $0x2000  }
0xc0: {  	[sflag:s24] =	ssyncset.done $0x0  }
0xc1: {  	s1 =	simm.s32 $0x100;
	[sflag:s24] =	ssyncadd.s32 $0xFFFFE000  }
0xc2: {  	[tilespmem:s20], [sflag:$0x1] =	stream.indirect.gather [spmem:s3], $0x40, s1, s19, $0xb8;
	[tilespmem:$0x1A800] =	vst v63  }
0xc3: {  	s1 =	simm.s32 $0x1480  }
0xc4: {  	[spmem:s2] =	stream.indirect.scatter.add.f32 [tilespmem:s22], [sflag:$0x4], $0x40, s1, s19, $0xb8;
	[tilespmem:$0x1A800] =	vst v63  }
0xc5: {  	_ =	swait.ge [sflag:s25], $0x2000  }
0xc6: {  	s31 =	simm.s32 $0x400;
	[sflag:s25] =	ssyncset.done $0x0  }
.LBB2_6:
0xc7: {  	p0 =	sne.s32 s31, $0x4800  }
0xc8: {  	[sflag:s25] =	ssyncadd.s32 $0xFFFFE000;
	s0 =	smov.u32 s31;
	s31 =	sadd.s32 $0x400, s31  }
0xc9: {  	_ = 	snop  }
0xca: {  	_ =	swait.ge [sflag:s21], $0x2000  }
0xcb: {  	s0 =	sshra.s32 s0, $0x2;
	[sflag:s21] =	ssyncset.done $0x0  }
0xcc: {  	s1 =	sadd.s32 $0x80, s0;
	[sflag:s21] =	ssyncadd.s32 $0xFFFFE000  }
0xcd: {  	[tilespmem:s22], [sflag:$0x2] =	stream.indirect.gather [spmem:s3], $0x40, s1, s19, $0xb8;
	[tilespmem:$0x1A800] =	vst v63  }
0xce: {  	s1 =	sadd.s32 $0x1400, s0  }
0xcf: {  	[spmem:s2] =	stream.indirect.scatter.add.f32 [tilespmem:s20], [sflag:$0x3], $0x40, s1, s19, $0xb8;
	[tilespmem:$0x1A800] =	vst v63  }
0xd0: {  	_ =	swait.ge [sflag:s23], $0x2000  }
0xd1: {  	[sflag:s23] =	ssyncset.done $0x0  }
0xd2: {  	[sflag:s23] =	ssyncadd.s32 $0xFFFFE000  }
0xd3: {  	_ =	swait.ge [sflag:s24], $0x2000  }
0xd4: {  	[sflag:s24] =	ssyncset.done $0x0  }
0xd5: {  	s1 =	sadd.s32 $0x100, s0;
	[sflag:s24] =	ssyncadd.s32 $0xFFFFE000  }
0xd6: {  	[tilespmem:s20], [sflag:$0x1] =	stream.indirect.gather [spmem:s3], $0x40, s1, s19, $0xb8;
	[tilespmem:$0x1A800] =	vst v63  }
.Ltmp2:
0xd7: {  	_ = 	snop;
	(pc) =	sbr.rel @p0 .LBB2_6-.Ltmp2, $4  }
0xd8: {  	s0 =	sadd.s32 $0x1480, s0  }
0xd9: {  	[spmem:s2] =	stream.indirect.scatter.add.f32 [tilespmem:s22], [sflag:$0x4], $0x40, s0, s19, $0xb8;
	[tilespmem:$0x1A800] =	vst v63  }
0xda: {  	_ =	swait.ge [sflag:s25], $0x2000  }
0xdb: {  	[sflag:s25] =	ssyncset.done $0x0  }
0xdc: {  	[sflag:s25] =	ssyncadd.s32 $0xFFFFE000  }
0xdd: {  	_ =	swait.ge [sflag:s21], $0x2000  }
0xde: {  	[sflag:s21] =	ssyncset.done $0x0  }
0xdf: {  	[sflag:s21] =	ssyncadd.s32 $0xFFFFE000  }
0xe0: {  	[tilespmem:s22], [sflag:$0x2] =	stream.indirect.gather [spmem:s3], $0x40, s26, s19, $0xb8;
	[tilespmem:$0x1A800] =	vst v63  }
0xe1: {  	_ = 	snop  }
0xe2: {  	[spmem:s2] =	stream.indirect.scatter.add.f32 [tilespmem:s20], [sflag:$0x3], $0x40, s28, s19, $0xb8;
	[tilespmem:$0x1A800] =	vst v63  }
0xe3: {  	_ =	swait.ge [sflag:s23], $0x2000  }
0xe4: {  	[sflag:s23] =	ssyncset.done $0x0  }
0xe5: {  	[sflag:s23] =	ssyncadd.s32 $0xFFFFE000  }
0xe6: {  	_ =	swait.ge [sflag:s24], $0x2000  }
0xe7: {  	[sflag:s24] =	ssyncset.done $0x0  }
0xe8: {  	[sflag:s24] =	ssyncadd.s32 $0xFFFFE000  }
0xe9: {  	[spmem:s2] =	stream.indirect.scatter.add.f32 [tilespmem:s22], [sflag:$0x5], $0x40, s29, s19, $0xb8;
	[tilespmem:$0x1A800] =	vst v63  }
0xea: {  	_ =	swait.ge [sflag:s16], $0x2000  }
0xeb: {  	[sflag:s16] =	ssyncset.done $0x0  }
0xec: {  	s0 =	simm.s32 $0x0;
	[sflag:s16] =	ssyncadd.s32 $0xFFFFE000  }
0xed: {  	[tilespmem:s0], [sflag:$0x5] =	stream.linear.gather [hbm4b:s11+s0], $0x1400, $0x38;
	[tilespmem:$0x1A800] =	vst v63  }
0xee: {  	_ =	swait.ge [sflag:s16], $0x1400  }
0xef: {  	[sflag:s16] =	ssyncset.done $0x0  }
0xf0: {  	[sflag:s16] =	ssyncadd.s32 $0xFFFFEC00  }
0xf1: {  	[tilespmem:s18], [sflag:$0x5] =	stream.linear.gather [hbm4b:s12+s0], $0x1400, $0x38;
	[tilespmem:$0x1A800] =	vst v63  }
0xf2: {  	_ =	swait.ge [sflag:s16], $0x1400  }
0xf3: {  	[sflag:s16] =	ssyncset.done $0x0  }
0xf4: {  	[sflag:s16] =	ssyncadd.s32 $0xFFFFEC00  }
0xf5: {  	[tilespmem:s20], [sflag:$0x1] =	stream.indirect.gather [spmem:s3], $0x40, s0, s19, $0xb8;
	[tilespmem:$0x1A800] =	vst v63  }
0xf6: {  	_ =	swait.ge [sflag:s21], $0x2000  }
0xf7: {  	[sflag:s21] =	ssyncset.done $0x0  }
0xf8: {  	s1 =	simm.s32 $0x80;
	[sflag:s21] =	ssyncadd.s32 $0xFFFFE000  }
0xf9: {  	[tilespmem:s22], [sflag:$0x2] =	stream.indirect.gather [spmem:s3], $0x40, s1, s19, $0xb8;
	[tilespmem:$0x1A800] =	vst v63  }
0xfa: {  	s1 =	simm.s32 $0x1400  }
0xfb: {  	[spmem:s2] =	stream.indirect.scatter.add.f32 [tilespmem:s20], [sflag:$0x3], $0x40, s1, s19, $0xb8;
	[tilespmem:$0x1A800] =	vst v63  }
0xfc: {  	_ =	swait.ge [sflag:s23], $0x2000  }
0xfd: {  	[sflag:s23] =	ssyncset.done $0x0  }
0xfe: {  	[sflag:s23] =	ssyncadd.s32 $0xFFFFE000  }
0xff: {  	_ =	swait.ge [sflag:s24], $0x2000  }
0x100: {  	[sflag:s24] =	ssyncset.done $0x0  }
0x101: {  	s1 =	simm.s32 $0x100;
	[sflag:s24] =	ssyncadd.s32 $0xFFFFE000  }
0x102: {  	[tilespmem:s20], [sflag:$0x1] =	stream.indirect.gather [spmem:s3], $0x40, s1, s19, $0xb8;
	[tilespmem:$0x1A800] =	vst v63  }
0x103: {  	s1 =	simm.s32 $0x1480  }
0x104: {  	[spmem:s2] =	stream.indirect.scatter.add.f32 [tilespmem:s22], [sflag:$0x4], $0x40, s1, s19, $0xb8;
	[tilespmem:$0x1A800] =	vst v63  }
0x105: {  	_ =	swait.ge [sflag:s25], $0x2000  }
0x106: {  	s31 =	simm.s32 $0x400;
	[sflag:s25] =	ssyncset.done $0x0  }
.LBB2_8:
0x107: {  	p0 =	sne.s32 s31, $0x4800  }
0x108: {  	[sflag:s25] =	ssyncadd.s32 $0xFFFFE000;
	s0 =	smov.u32 s31;
	s31 =	sadd.s32 $0x400, s31  }
0x109: {  	_ = 	snop  }
0x10a: {  	_ =	swait.ge [sflag:s21], $0x2000  }
0x10b: {  	s0 =	sshra.s32 s0, $0x2;
	[sflag:s21] =	ssyncset.done $0x0  }
0x10c: {  	s1 =	sadd.s32 $0x80, s0;
	[sflag:s21] =	ssyncadd.s32 $0xFFFFE000  }
0x10d: {  	[tilespmem:s22], [sflag:$0x2] =	stream.indirect.gather [spmem:s3], $0x40, s1, s19, $0xb8;
	[tilespmem:$0x1A800] =	vst v63  }
0x10e: {  	s1 =	sadd.s32 $0x1400, s0  }
0x10f: {  	[spmem:s2] =	stream.indirect.scatter.add.f32 [tilespmem:s20], [sflag:$0x3], $0x40, s1, s19, $0xb8;
	[tilespmem:$0x1A800] =	vst v63  }
0x110: {  	_ =	swait.ge [sflag:s23], $0x2000  }
0x111: {  	[sflag:s23] =	ssyncset.done $0x0  }
0x112: {  	[sflag:s23] =	ssyncadd.s32 $0xFFFFE000  }
0x113: {  	_ =	swait.ge [sflag:s24], $0x2000  }
0x114: {  	[sflag:s24] =	ssyncset.done $0x0  }
0x115: {  	s1 =	sadd.s32 $0x100, s0;
	[sflag:s24] =	ssyncadd.s32 $0xFFFFE000  }
0x116: {  	[tilespmem:s20], [sflag:$0x1] =	stream.indirect.gather [spmem:s3], $0x40, s1, s19, $0xb8;
	[tilespmem:$0x1A800] =	vst v63  }
.Ltmp3:
0x117: {  	_ = 	snop;
	(pc) =	sbr.rel @p0 .LBB2_8-.Ltmp3, $4  }
0x118: {  	s0 =	sadd.s32 $0x1480, s0  }
0x119: {  	[spmem:s2] =	stream.indirect.scatter.add.f32 [tilespmem:s22], [sflag:$0x4], $0x40, s0, s19, $0xb8;
	[tilespmem:$0x1A800] =	vst v63  }
0x11a: {  	_ =	swait.ge [sflag:s25], $0x2000  }
0x11b: {  	[sflag:s25] =	ssyncset.done $0x0  }
0x11c: {  	[sflag:s25] =	ssyncadd.s32 $0xFFFFE000  }
0x11d: {  	_ =	swait.ge [sflag:s21], $0x2000  }
0x11e: {  	[sflag:s21] =	ssyncset.done $0x0  }
0x11f: {  	[sflag:s21] =	ssyncadd.s32 $0xFFFFE000  }
0x120: {  	[tilespmem:s22], [sflag:$0x2] =	stream.indirect.gather [spmem:s3], $0x40, s26, s19, $0xb8;
	[tilespmem:$0x1A800] =	vst v63  }
0x121: {  	_ = 	snop  }
0x122: {  	[spmem:s2] =	stream.indirect.scatter.add.f32 [tilespmem:s20], [sflag:$0x3], $0x40, s28, s19, $0xb8;
	[tilespmem:$0x1A800] =	vst v63  }
0x123: {  	_ =	swait.ge [sflag:s23], $0x2000  }
0x124: {  	[sflag:s23] =	ssyncset.done $0x0  }
0x125: {  	[sflag:s23] =	ssyncadd.s32 $0xFFFFE000  }
0x126: {  	_ =	swait.ge [sflag:s24], $0x2000  }
0x127: {  	[sflag:s24] =	ssyncset.done $0x0  }
0x128: {  	[sflag:s24] =	ssyncadd.s32 $0xFFFFE000  }
0x129: {  	[spmem:s2] =	stream.indirect.scatter.add.f32 [tilespmem:s22], [sflag:$0x5], $0x40, s29, s19, $0xb8;
	[tilespmem:$0x1A800] =	vst v63  }
0x12a: {  	_ =	swait.ge [sflag:s16], $0x2000  }
0x12b: {  	s30 =	sadd.s32 $0x1, s30;
	[sflag:s16] =	ssyncset.done $0x0  }
0x12c: {  	p0 =	sne.s32 s30, s8;
	[sflag:s16] =	ssyncadd.s32 $0xFFFFE000  }
.Ltmp4:
0x12d: {  	[bflag:$0x0] =	sbarrier.arrive $0xFFFF;
	(pc) =	sbr.rel @p0 .LBB2_1-.Ltmp4, $4  }
0x12e: {  	[hbm:s14], [sflag:s6] =	dma.local [spmem:s15], $0x1400  }
0x12f: {  	_ =	swait.ge [sflag:s16], $0x1400  }
0x130: {  	[sflag:s16] =	ssyncset.done $0x0  }
0x131: {  	[sflag:s16] =	ssyncadd.s32 $0xFFFFEC00  }
0x132: {  	_ =	sfence.sel $0x180000  }
0x133: {  	[bflag:$0x0] =	sbarrier.arrive $0xFFFF  }
0x134: {  	_ =	strace $0x9000004A  }
0x135: {  	s0 =	stileid.u32;
	[bflag:$0x2] =	sbarrier.arrive $0xFFFF  }
0x136: {  	p0 =	sne.s32 s0, $0x0;
	s0 =	rddreg [dreg:$0x4]  }
0x137: {  	s0 =	sadd.s32 @!p0 $0x100000, s0  }
0x138: {  	[sflag:s0] =	ssyncadd.tile.s32 @!p0 $0x1;
	_ =	shalt  }
.Lfunc_end2:
_tile_overlayer_lowered:
.L_overlay_start_2:
0x139: {  	(tag) =	ssettag $0x2  }
0x13a: {  	s0 =	rddreg [dreg:$0x0];
	s2 =	stileid.u32  }
0x13b: {  	s1 =	rddreg [dreg:$0x1];
	p0 =	sne.s32 s2, $0x0  }
0x13c: {  	s3 =	rddreg [dreg:$0x2];
	[bflag:$0x3] =	sbarrier.arrive $0xFFFF;
	s2 =	simm.s32 @!p0 $0x1C05  }
0x13d: {  	[timem:s3], [sflag:s2] =	dma.local @!p0 [hbm:s0], s1  }
0x13e: {  	s0 =	simm.s32 @!p0 $0x5  }
0x13f: {  	_ =	swait.ge @!p0 [sflag:s0], s1  }
0x140: {  	s1 =	ssub.s32 @!p0 $0x0, s1;
	[sflag:s0] =	ssyncset.done @!p0 $0x0  }
0x141: {  	[sflag:s0] =	ssyncadd.s32 @!p0 s1  }
0x142: {  	[bflag:$0x3] =	sbarrier.arrive $0xFFFF  }
0x143: {  	_ =	shalt  }

// kernel: kernel.14.cloned.1.call-start
scs
__scs_entry_jumppad:
0x0: {  	(pc) =	sbr.rel $0x88, $3  }
0x1: {  	(tag) =	ssettag $0x0;
	lr =	simm.s32 $0x1  }
0x2: {  	[smem:$0x3F9B] =	sst lr;
	_ =	strace $0xD0000000  }
0x3: {  	_ = 	snop  }
0x4: {  	_ = 	snop  }
0x5: {  	_ = 	snop  }
0x6: {  	_ = 	snop  }
0x7: {  	_ = 	snop  }
__scs_overlays_trampoline_lowered:
0x8: {  	[smem:$0x3FAA] =	sst s0  }
0x9: {  	[smem:$0x3FAB] =	sst s1  }
0xa: {  	[smem:$0x3FAC] =	sst s2  }
0xb: {  	[smem:$0x3FAD] =	sst s3  }
0xc: {  	[smem:$0x3FAE] =	sst s4  }
0xd: {  	[smem:$0x3FAF] =	sst s5  }
0xe: {  	[smem:$0x3FB0] =	sst s6  }
0xf: {  	[smem:$0x3FB1] =	sst s7  }
0x10: {  	[smem:$0x3FB2] =	sst s8  }
0x11: {  	[smem:$0x3FB3] =	sst s9;
	s0 =	simm.s32 @!p0 $0x0  }
0x12: {  	s1 =	sld [smem:$0x3F99];
	s0 =	simm.s32 @p0 $0x1  }
0x13: {  	[smem:$0x3FB4] =	sst s0;
	s0 =	simm.s32 @!p1 $0x0  }
0x14: {  	s2 =	sld [smem:$0x3F98];
	s0 =	simm.s32 @p1 $0x1  }
0x15: {  	[smem:$0x3FB5] =	sst s0;
	s0 =	simm.s32 @!p2 $0x0  }
0x16: {  	s3 =	sld [smem:$0x3FDB];
	s0 =	simm.s32 @p2 $0x1  }
0x17: {  	s4 =	simm.s32 $0x1BF5;
	[smem:$0x3FB7] =	sst s0  }
0x18: {  	s0 =	sld [smem:$0x3F9A];
	_ =	swait.ge [sflag:s4], $0x0  }
0x19: {  	s7 =	sld [smem:$0x3F9B]  }
0x1a: {  	s8 =	sadd.s32 $0xFFFFE003, lr  }
0x1b: {  	s9 =	sadd.s32 $0xFFFFFEF7, lr;
	s5 =	simm.s32 $0xFFFFFFFF;
	p2 =	slt.u32 s8, $0xFFFFF086  }
0x1c: {  	p1 =	slt.u32 s9, $0xF7A;
	s5 =	simm.s32 @!p2 $0x0  }
0x1d: {  	s5 =	simm.s32 @p1 $0x1;
	p0 =	seq.s32 s7, s2  }
0x1e: {  	s7 =	smul.u32 @!p0 $0xF7A, s2;
	p2 =	seq.s32 @!p0 s5, $0x0  }
0x1f: {  	s9 =	smul.u32 $0xF7A, s1;
	s8 =	simm.s32 @!p0 $0x1BF5;
	p2 =	por !p2, p0  }
0x20: {  	[sflag:s8] =	ssyncset.s32 @!p0 $0xFFFFF086;
	s6 =	sadd.s32 @!p0 s3, s7;
	s7 =	simm.s32 @!p0 $0x108  }
0x21: {  	s3 =	sadd.s32 s3, s9;
	s6 =	sadd.s32 @!p0 $0x88, s6;
	s7 =	simm.s32 @p2 $0x1082  }
0x22: {  	[simem:s7], [sflag:s8] =	dma.local @!p0 [hbm:s6], $0xF7A  }
0x23: {  	s9 =	sor.u32 $0xD0000000, s2;
	s6 =	simm.s32 $0x108;
	_ =	swait.ge @!p0 [sflag:s8], $0x0  }
0x24: {  	s3 =	sadd.s32 $0x88, s3;
	s6 =	simm.s32 @!p1 $0x1082;
	[sflag:s4] =	ssyncset.s32 $0xFFFFF086  }
0x25: {  	[simem:s6], [sflag:s4] =	dma.local [hbm:s3], $0xF7A  }
0x26: {  	[smem:$0x3F9B] =	sst s1;
	(tag) =	ssettag s2;
	_ =	strace s9  }
0x27: {  	s1 =	sld [smem:$0x3FAB]  }
0x28: {  	s2 =	sld [smem:$0x3FAC]  }
0x29: {  	s4 =	sld [smem:$0x3FAE]  }
0x2a: {  	p0 =	seq.s32 s5, $0x0;
	s5 =	sld [smem:$0x3FAF]  }
0x2b: {  	s6 =	sld [smem:$0x3FB0]  }
0x2c: {  	s7 =	sld [smem:$0x3FB1]  }
0x2d: {  	s3 =	simm.s32 $0x108;
	s8 =	sld [smem:$0x3FB2]  }
0x2e: {  	s3 =	simm.s32 @!p0 $0x1082;
	s9 =	sld [smem:$0x3FB3]  }
0x2f: {  	lr =	sadd.s32 s0, s3;
	s0 =	sld [smem:$0x3FAA]  }
0x30: {  	s3 =	sld [smem:$0x3FAD]  }
0x31: {  	[smem:$0x3FB6] =	sst s10  }
0x32: {  	s10 =	sld [smem:$0x3FB4];
	_ =	sdelay $0x3  }
0x33: {  	p0 =	seq.s32 s10, $0x1;
	s10 =	sld [smem:$0x3FB6];
	_ =	sdelay $0x3  }
0x34: {  	[smem:$0x3FB6] =	sst s10  }
0x35: {  	s10 =	sld [smem:$0x3FB5];
	_ =	sdelay $0x3  }
0x36: {  	p1 =	seq.s32 s10, $0x1;
	s10 =	sld [smem:$0x3FB6];
	_ =	sdelay $0x3  }
0x37: {  	[smem:$0x3FB6] =	sst s10  }
0x38: {  	s10 =	sld [smem:$0x3FB7]  }
0x39: {  	_ = 	snop;
	(pc) =	sbr.ind lr, $3  }
0x3a: {  	_ = 	snop  }
0x3b: {  	_ = 	snop  }
0x3c: {  	p2 =	seq.s32 s10, $0x1;
	s10 =	sld [smem:$0x3FB6]  }
0x3d: {  	_ =	shalt  }
0x3e: {  	_ =	shalt  }
0x3f: {  	_ =	shalt  }
0x40: {  	_ =	shalt  }
0x41: {  	_ =	shalt  }
0x42: {  	_ =	shalt  }
0x43: {  	_ =	shalt  }
0x44: {  	_ =	shalt  }
0x45: {  	_ =	shalt  }
0x46: {  	_ =	shalt  }
0x47: {  	_ =	shalt  }
0x48: {  	_ =	shalt  }
0x49: {  	_ =	shalt  }
0x4a: {  	_ =	shalt  }
0x4b: {  	_ =	shalt  }
0x4c: {  	_ =	shalt  }
0x4d: {  	_ =	shalt  }
0x4e: {  	_ =	shalt  }
0x4f: {  	_ =	shalt  }
0x50: {  	_ =	shalt  }
0x51: {  	_ =	shalt  }
0x52: {  	_ =	shalt  }
0x53: {  	_ =	shalt  }
0x54: {  	_ =	shalt  }
0x55: {  	_ =	shalt  }
0x56: {  	_ =	shalt  }
0x57: {  	_ =	shalt  }
0x58: {  	_ =	shalt  }
0x59: {  	_ =	shalt  }
0x5a: {  	_ =	shalt  }
0x5b: {  	_ =	shalt  }
0x5c: {  	_ =	shalt  }
0x5d: {  	_ =	shalt  }
0x5e: {  	_ =	shalt  }
0x5f: {  	_ =	shalt  }
0x60: {  	_ =	shalt  }
0x61: {  	_ =	shalt  }
0x62: {  	_ =	shalt  }
0x63: {  	_ =	shalt  }
0x64: {  	_ =	shalt  }
0x65: {  	_ =	shalt  }
0x66: {  	_ =	shalt  }
0x67: {  	_ =	shalt  }
0x68: {  	_ =	shalt  }
0x69: {  	_ =	shalt  }
0x6a: {  	_ =	shalt  }
0x6b: {  	_ =	shalt  }
0x6c: {  	_ =	shalt  }
0x6d: {  	_ =	shalt  }
0x6e: {  	_ =	shalt  }
0x6f: {  	_ =	shalt  }
0x70: {  	_ =	shalt  }
0x71: {  	_ =	shalt  }
0x72: {  	_ =	shalt  }
0x73: {  	_ =	shalt  }
0x74: {  	_ =	shalt  }
0x75: {  	_ =	shalt  }
0x76: {  	_ =	shalt  }
0x77: {  	_ =	shalt  }
0x78: {  	_ =	shalt  }
0x79: {  	_ =	shalt  }
0x7a: {  	_ =	shalt  }
0x7b: {  	_ =	shalt  }
0x7c: {  	_ =	shalt  }
0x7d: {  	_ =	shalt  }
0x7e: {  	_ =	shalt  }
0x7f: {  	_ =	shalt  }
0x80: {  	_ =	shalt  }
0x81: {  	_ =	shalt  }
0x82: {  	_ =	shalt  }
0x83: {  	_ =	shalt  }
0x84: {  	_ =	shalt  }
0x85: {  	_ =	shalt  }
0x86: {  	_ =	shalt  }
0x87: {  	_ =	shalt  }
.Lfunc_end0:
.L_simem_size_0:
called_computation.2_lowered:
.L_overlay_start_0:
0x88: {  	s2 =	sld [smem:$0x3FD9]  }
0x89: {  	s3 =	sld [smem:$0x3FFE];
	_ =	sdelay $0x1  }
0x8a: {  	s1 =	srdreg.scid  }
0x8b: {  	s0 =	sand.u32 $0x1, s1  }
0x8c: {  	s17 =	sshll.u32 s0, $0xA;
	s2 =	sadd.s32 s3, s2  }
0x8d: {  	s2 =	sadd.s32 s2, s17  }
0x8e: {  	[smem:$0x3FC2] =	sst s2  }
0x8f: {  	_ = 	snop  }
0x90: {  	s2 =	sld [smem:$0x3FD0];
	(tm) =	ssettm $0x1  }
0x91: {  	s18 =	sld [smem:$0x3FFB];
	_ =	sdelay $0x3  }
0x92: {  	_ =	strace s18  }
0x93: {  	s3 =	sld [smem:$0x3FFC];
	_ =	sdelay $0x3  }
0x94: {  	_ =	strace s3  }
0x95: {  	s3 =	sld [smem:$0x3FFD];
	_ =	sdelay $0x3  }
0x96: {  	_ =	strace s3  }
0x97: {  	_ =	strace $0x8FFFFFFF  }
0x98: {  	s19 =	sld [smem:$0x3FDB];
	_ =	sdelay $0x1  }
0x99: {  	s4 =	simm.s32 $_scs_section_size  }
0x9a: {  	s5 =	simm.s32 $_size__tile_overlayer_lowered;
	s6 =	simm.s32 $_tile_overlayer_lowered  }
0x9b: {  	s22 =	simm.s32 $0x1BFF;
	s21 =	sshll.u32 s6, $0x1;
	s3 =	sadd.s32 s4, s19  }
0x9c: {  	s7 =	simm.s32 $0x0;
	s20 =	sshll.u32 s5, $0x1;
	s5 =	sadd.s32 s21, s3  }
0x9d: {  	[timem:s7], [sflag:s22] =	dma.local [hbm:s5], s20  }
0x9e: {  	_ =	swait.ge [sflag:s22], s20  }
0x9f: {  	s4 =	ssub.s32 $0x0, s20;
	[sflag:s22] =	ssyncset.done $0x0  }
0xa0: {  	[sflag:s22] =	ssyncadd.s32 s4;
	_ =	sdelay $0x1  }
0xa1: {  	s23 =	simm.s32 $0x1B8B  }
0xa2: {  	_ =	swait.ge [sflag:s23], $0x1  }
0xa3: {  	[sflag:s23] =	ssyncset.done $0x0  }
0xa4: {  	s25 =	simm.s32 $0x1B8E;
	s24 =	sld [smem:$0x3FFE];
	[sflag:s23] =	ssyncadd.s32 $0xFFFFFFFF  }
0xa5: {  	s26 =	simm.s32 $execute0_lowered;
	[smem:$0x3FD2] =	sst s25  }
0xa6: {  	s5 =	sshll.u32 s26, $0x1;
	_ =	strace $0x8000004C;
	[dreg:$0x1] =	wrdreg $0xFFFFFFFF  }
0xa7: {  	s28 =	simm.s32 $_size_execute0_lowered;
	s3 =	sadd.s32 s3, s5;
	[dreg:$0x0] =	wrdreg $0x0  }
0xa8: {  	s5 =	sshll.u32 s28, $0x1;
	[dreg:$0x2] =	wrdreg s3  }
0xa9: {  	[dreg:$0x3] =	wrdreg s5  }
0xaa: {  	[dreg:$0x4] =	wrdreg $0xC0  }
0xab: {  	_ =	task [dreg:s7], $0x5FFFF  }
0xac: {  	[dreg:$0x1] =	wrdreg $0xFFFFFFFF  }
0xad: {  	[dreg:$0x0] =	wrdreg $0x60  }
0xae: {  	[dreg:$0x2] =	wrdreg s24  }
0xaf: {  	[dreg:$0x3] =	wrdreg s2  }
0xb0: {  	[dreg:$0x4] =	wrdreg $0x68000  }
0xb1: {  	[dreg:$0x5] =	wrdreg $0x108000  }
0xb2: {  	[dreg:$0x6] =	wrdreg $0x9  }
0xb3: {  	_ =	task.clear_ibuf [dreg:s7], $0x7FFFF;
	_ =	strace $0x9000004C  }
0xb4: {  	s29 =	simm.s32 $0x9;
	_ =	strace $0x8000004E  }
0xb5: {  	_ =	swait.ge [sflag:s29], $0x1  }
0xb6: {  	[sflag:s29] =	ssyncadd.s32 $0xFFFFFFFF  }
0xb7: {  	_ =	strace $0x9000004E  }
0xb8: {  	_ =	sfence  }
0xb9: {  	s30 =	sld [smem:$0x0];
	_ =	sdelay $0x2  }
0xba: {  	s31 =	sshll.u32 s1, $0xD;
	s1 =	sshrl.u32 s1, $0x2  }
0xbb: {  	s3 =	sand.u32 $0x4000, s31;
	s1 =	sadd.s32 s1, s30  }
0xbc: {  	s0 =	sor.u32 s3, s0;
	s1 =	sshll.u32 s1, $0x11  }
0xbd: {  	s0 =	sor.u32 s1, s0  }
0xbe: {  	s0 =	sadd.s32 $0x8F2B, s0  }
0xbf: {  	[sflag:s0] =	ssyncadd.remote.s32 $0x1  }
0xc0: {  	_ =	sfence.sel $0xFFFF  }
0xc1: {  	[dreg:$0x0] =	wrdreg $0xFFFFFFFF;
	(pc) =	sbr.abs _section_cstart, $3  }
0xc2: {  	[dreg:$0x1] =	wrdreg $0xFFFFFFFF  }
0xc3: {  	_ =	task.clear_ibuf [dreg:s7], $0x2FFFF;
	_ =	strace $0x9FFFFFFF  }
0xc4: {  	(tm) =	ssettm $0x7FFFFFFF  }
0xc5: {  	_ =	shalt  }
tec
execute0_lowered:
.L_overlay_start_1:
0x0: {  	(tag) =	ssettag $0x1  }
0x1: {  	s5 =	rddreg [dreg:$0x0]  }
0x2: {  	s11 =	rddreg [dreg:$0x1]  }
0x3: {  	s2 =	rddreg [dreg:$0x2]  }
0x4: {  	s3 =	rddreg [dreg:$0x3]  }
0x5: {  	s0 =	stileid.u32;
	s1 =	rddreg [dreg:$0x4]  }
0x6: {  	s4 =	simm.s32 $0x0;
	s6 =	srdreg.scid;
	s17 =	simm.s32 $0x80  }
0x7: {  	s18 =	simm.s32 $0x2800;
	s19 =	simm.s32 $0x1;
	s20 =	simm.s32 $0x4800  }
0x8: {  	s21 =	simm.s32 $0x2;
	s22 =	simm.s32 $0x3;
	s23 =	simm.s32 $0x4  }
0x9: {  	s24 =	simm.s32 $0x1380;
	s25 =	simm.s32 $0x2700;
	s28 =	simm.s32 $0x0  }
0xa: {  	s7 =	smul.u32 $0xA000, s0;
	[smem:$0x7FF] =	sst s4;
	s9 =	sand.u32 $0x1, s6  }
0xb: {  	s10 =	sadd.s32 $0xE000, s5;
	s29 =	sshll.u32 s0, $0x1;
	s31 =	sshll.u32 s0, $0x6  }
0xc: {  	_ =	strace $0x8000004D;
	s6 =	ssub.s32 $0x2, s9;
	s30 =	sor.u32 s9, s29  }
0xd: {  	p0 =	seq.s32 s9, $0x1;
	s8 =	sshrl.u32 s7, $0x3;
	s26 =	sshrl.u32 s6, $0x1  }
0xe: {  	s14 =	sadd.s32 s7, s2;
	s15 =	smul.u32 $0x500, s30;
	s16 =	sadd.s32 s7, s3  }
0xf: {  	s12 =	sadd.s32 s8, s5;
	s13 =	ssub.s32 s6, s26;
	s6 =	sor.u32 $0x1C05, s31  }
0x10: {  	s26 =	simm.s32 $0x2780;
	s7 =	smax.u32 s13, $0x1;
	s8 =	sadd.s32 s10, s15  }
0x11: {  	s13 =	simm.s32 $0x54000;
	s9 =	sadd.s32 s11, s15;
	s15 =	sadd.s32 $0x280, s15  }
0x12: {  	s5 =	sadd.s32 $0x40000, s12;
	s13 =	simm.s32 @!p0 $0x68000;
	s10 =	sadd.s32 s10, s15  }
0x13: {  	s11 =	sadd.s32 s11, s15;
	s15 =	sshrl.u32 s16, $0x3;
	s16 =	simm.s32 $0x1400  }
0x14: {  	s12 =	sadd.s32 s13, s12;
	s13 =	sshrl.u32 s14, $0x3;
	s14 =	simm.s32 $0x5  }
.LBB2_1:
0x15: {  	[spmem:s13], [sflag:s6] =	dma.local [hbm:s5], $0x1400  }
0x16: {  	_ =	swait.ge [sflag:s14], $0x1400  }
0x17: {  	[sflag:s14] =	ssyncset.done $0x0  }
0x18: {  	[sflag:s14] =	ssyncadd.s32 $0xFFFFEC00  }
0x19: {  	[spmem:s15], [sflag:s6] =	dma.local [hbm:s5], $0x1400  }
0x1a: {  	_ =	swait.ge [sflag:s14], $0x1400  }
0x1b: {  	[sflag:s14] =	ssyncset.done $0x0  }
0x1c: {  	[sflag:s14] =	ssyncadd.s32 $0xFFFFEC00  }
0x1d: {  	[bflag:$0x0] =	sbarrier.arrive $0xFFFF  }
0x1e: {  	[tilespmem:s4], [sflag:$0x5] =	stream.linear.gather [hbm4b:s8+s4], $0x1400, $0x38;
	[tilespmem:$0x1A800] =	vst v63  }
0x1f: {  	_ =	swait.ge [sflag:s14], $0x1400  }
0x20: {  	[sflag:s14] =	ssyncset.done $0x0  }
0x21: {  	[sflag:s14] =	ssyncadd.s32 $0xFFFFEC00  }
0x22: {  	[tilespmem:s16], [sflag:$0x5] =	stream.linear.gather [hbm4b:s9+s4], $0x1400, $0x38;
	[tilespmem:$0x1A800] =	vst v63  }
0x23: {  	_ =	swait.ge [sflag:s14], $0x1400  }
0x24: {  	[sflag:s14] =	ssyncset.done $0x0  }
0x25: {  	[sflag:s14] =	ssyncadd.s32 $0xFFFFEC00  }
0x26: {  	[tilespmem:s18], [sflag:$0x1] =	stream.indirect.gather [spmem:s3], $0x40, s4, s17, $0xb8;
	[tilespmem:$0x1A800] =	vst v63  }
0x27: {  	_ =	swait.ge [sflag:s19], $0x2000  }
0x28: {  	[sflag:s19] =	ssyncset.done $0x0  }
0x29: {  	s29 =	simm.s32 $0x80;
	[sflag:s19] =	ssyncadd.s32 $0xFFFFE000  }
0x2a: {  	[tilespmem:s20], [sflag:$0x2] =	stream.indirect.gather [spmem:s3], $0x40, s29, s17, $0xb8;
	[tilespmem:$0x1A800] =	vst v63  }
0x2b: {  	s29 =	simm.s32 $0x1400  }
0x2c: {  	[spmem:s2] =	stream.indirect.scatter.add.f32 [tilespmem:s18], [sflag:$0x3], $0x40, s29, s17, $0xb8;
	[tilespmem:$0x1A800] =	vst v63  }
0x2d: {  	_ =	swait.ge [sflag:s21], $0x2000  }
0x2e: {  	[sflag:s21] =	ssyncset.done $0x0  }
0x2f: {  	[sflag:s21] =	ssyncadd.s32 $0xFFFFE000  }
0x30: {  	_ =	swait.ge [sflag:s22], $0x2000  }
0x31: {  	[sflag:s22] =	ssyncset.done $0x0  }
0x32: {  	s29 =	simm.s32 $0x100;
	[sflag:s22] =	ssyncadd.s32 $0xFFFFE000  }
0x33: {  	[tilespmem:s18], [sflag:$0x1] =	stream.indirect.gather [spmem:s3], $0x40, s29, s17, $0xb8;
	[tilespmem:$0x1A800] =	vst v63  }
0x34: {  	s29 =	simm.s32 $0x1480  }
0x35: {  	[spmem:s2] =	stream.indirect.scatter.add.f32 [tilespmem:s20], [sflag:$0x4], $0x40, s29, s17, $0xb8;
	[tilespmem:$0x1A800] =	vst v63  }
0x36: {  	_ =	swait.ge [sflag:s23], $0x2000  }
0x37: {  	s29 =	simm.s32 $0x400;
	[sflag:s23] =	ssyncset.done $0x0  }
.LBB2_2:
0x38: {  	p0 =	sne.s32 s29, $0x4800  }
0x39: {  	[sflag:s23] =	ssyncadd.s32 $0xFFFFE000;
	s30 =	smov.u32 s29;
	s29 =	sadd.s32 $0x400, s29  }
0x3a: {  	_ = 	snop  }
0x3b: {  	_ =	swait.ge [sflag:s19], $0x2000  }
0x3c: {  	s30 =	sshra.s32 s30, $0x2;
	[sflag:s19] =	ssyncset.done $0x0  }
0x3d: {  	s31 =	sadd.s32 $0x80, s30;
	[sflag:s19] =	ssyncadd.s32 $0xFFFFE000  }
0x3e: {  	[tilespmem:s20], [sflag:$0x2] =	stream.indirect.gather [spmem:s3], $0x40, s31, s17, $0xb8;
	[tilespmem:$0x1A800] =	vst v63  }
0x3f: {  	s31 =	sadd.s32 $0x1400, s30  }
0x40: {  	[spmem:s2] =	stream.indirect.scatter.add.f32 [tilespmem:s18], [sflag:$0x3], $0x40, s31, s17, $0xb8;
	[tilespmem:$0x1A800] =	vst v63  }
0x41: {  	_ =	swait.ge [sflag:s21], $0x2000  }
0x42: {  	[sflag:s21] =	ssyncset.done $0x0  }
0x43: {  	[sflag:s21] =	ssyncadd.s32 $0xFFFFE000  }
0x44: {  	_ =	swait.ge [sflag:s22], $0x2000  }
0x45: {  	[sflag:s22] =	ssyncset.done $0x0  }
0x46: {  	s31 =	sadd.s32 $0x100, s30;
	[sflag:s22] =	ssyncadd.s32 $0xFFFFE000  }
0x47: {  	[tilespmem:s18], [sflag:$0x1] =	stream.indirect.gather [spmem:s3], $0x40, s31, s17, $0xb8;
	[tilespmem:$0x1A800] =	vst v63  }
.Ltmp0:
0x48: {  	_ = 	snop;
	(pc) =	sbr.rel @p0 .LBB2_2-.Ltmp0, $4  }
0x49: {  	s30 =	sadd.s32 $0x1480, s30  }
0x4a: {  	[spmem:s2] =	stream.indirect.scatter.add.f32 [tilespmem:s20], [sflag:$0x4], $0x40, s30, s17, $0xb8;
	[tilespmem:$0x1A800] =	vst v63  }
0x4b: {  	_ =	swait.ge [sflag:s23], $0x2000  }
0x4c: {  	[sflag:s23] =	ssyncset.done $0x0  }
0x4d: {  	[sflag:s23] =	ssyncadd.s32 $0xFFFFE000  }
0x4e: {  	_ =	swait.ge [sflag:s19], $0x2000  }
0x4f: {  	[sflag:s19] =	ssyncset.done $0x0  }
0x50: {  	[sflag:s19] =	ssyncadd.s32 $0xFFFFE000  }
0x51: {  	[tilespmem:s20], [sflag:$0x2] =	stream.indirect.gather [spmem:s3], $0x40, s24, s17, $0xb8;
	[tilespmem:$0x1A800] =	vst v63  }
0x52: {  	_ = 	snop  }
0x53: {  	[spmem:s2] =	stream.indirect.scatter.add.f32 [tilespmem:s18], [sflag:$0x3], $0x40, s25, s17, $0xb8;
	[tilespmem:$0x1A800] =	vst v63  }
0x54: {  	_ =	swait.ge [sflag:s21], $0x2000  }
0x55: {  	[sflag:s21] =	ssyncset.done $0x0  }
0x56: {  	[sflag:s21] =	ssyncadd.s32 $0xFFFFE000  }
0x57: {  	_ =	swait.ge [sflag:s22], $0x2000  }
0x58: {  	[sflag:s22] =	ssyncset.done $0x0  }
0x59: {  	[sflag:s22] =	ssyncadd.s32 $0xFFFFE000  }
0x5a: {  	[spmem:s2] =	stream.indirect.scatter.add.f32 [tilespmem:s20], [sflag:$0x5], $0x40, s26, s17, $0xb8;
	[tilespmem:$0x1A800] =	vst v63  }
0x5b: {  	_ =	swait.ge [sflag:s14], $0x2000  }
0x5c: {  	[sflag:s14] =	ssyncset.done $0x0  }
0x5d: {  	s29 =	simm.s32 $0x0;
	[sflag:s14] =	ssyncadd.s32 $0xFFFFE000  }
0x5e: {  	[tilespmem:s29], [sflag:$0x5] =	stream.linear.gather [hbm4b:s10+s29], $0x1400, $0x38;
	[tilespmem:$0x1A800] =	vst v63  }
0x5f: {  	_ =	swait.ge [sflag:s14], $0x1400  }
0x60: {  	[sflag:s14] =	ssyncset.done $0x0  }
0x61: {  	[sflag:s14] =	ssyncadd.s32 $0xFFFFEC00  }
0x62: {  	[tilespmem:s16], [sflag:$0x5] =	stream.linear.gather [hbm4b:s11+s29], $0x1400, $0x38;
	[tilespmem:$0x1A800] =	vst v63  }
0x63: {  	_ =	swait.ge [sflag:s14], $0x1400  }
0x64: {  	[sflag:s14] =	ssyncset.done $0x0  }
0x65: {  	[sflag:s14] =	ssyncadd.s32 $0xFFFFEC00  }
0x66: {  	[tilespmem:s18], [sflag:$0x1] =	stream.indirect.gather [spmem:s3], $0x40, s29, s17, $0xb8;
	[tilespmem:$0x1A800] =	vst v63  }
0x67: {  	_ =	swait.ge [sflag:s19], $0x2000  }
0x68: {  	[sflag:s19] =	ssyncset.done $0x0  }
0x69: {  	s29 =	simm.s32 $0x80;
	[sflag:s19] =	ssyncadd.s32 $0xFFFFE000  }
0x6a: {  	[tilespmem:s20], [sflag:$0x2] =	stream.indirect.gather [spmem:s3], $0x40, s29, s17, $0xb8;
	[tilespmem:$0x1A800] =	vst v63  }
0x6b: {  	s29 =	simm.s32 $0x1400  }
0x6c: {  	[spmem:s2] =	stream.indirect.scatter.add.f32 [tilespmem:s18], [sflag:$0x3], $0x40, s29, s17, $0xb8;
	[tilespmem:$0x1A800] =	vst v63  }
0x6d: {  	_ =	swait.ge [sflag:s21], $0x2000  }
0x6e: {  	[sflag:s21] =	ssyncset.done $0x0  }
0x6f: {  	[sflag:s21] =	ssyncadd.s32 $0xFFFFE000  }
0x70: {  	_ =	swait.ge [sflag:s22], $0x2000  }
0x71: {  	[sflag:s22] =	ssyncset.done $0x0  }
0x72: {  	s29 =	simm.s32 $0x100;
	[sflag:s22] =	ssyncadd.s32 $0xFFFFE000  }
0x73: {  	[tilespmem:s18], [sflag:$0x1] =	stream.indirect.gather [spmem:s3], $0x40, s29, s17, $0xb8;
	[tilespmem:$0x1A800] =	vst v63  }
0x74: {  	s29 =	simm.s32 $0x1480  }
0x75: {  	[spmem:s2] =	stream.indirect.scatter.add.f32 [tilespmem:s20], [sflag:$0x4], $0x40, s29, s17, $0xb8;
	[tilespmem:$0x1A800] =	vst v63  }
0x76: {  	_ =	swait.ge [sflag:s23], $0x2000  }
0x77: {  	s29 =	simm.s32 $0x400;
	[sflag:s23] =	ssyncset.done $0x0  }
.LBB2_4:
0x78: {  	p0 =	sne.s32 s29, $0x4800  }
0x79: {  	[sflag:s23] =	ssyncadd.s32 $0xFFFFE000;
	s30 =	smov.u32 s29;
	s29 =	sadd.s32 $0x400, s29  }
0x7a: {  	_ = 	snop  }
0x7b: {  	_ =	swait.ge [sflag:s19], $0x2000  }
0x7c: {  	s30 =	sshra.s32 s30, $0x2;
	[sflag:s19] =	ssyncset.done $0x0  }
0x7d: {  	s31 =	sadd.s32 $0x80, s30;
	[sflag:s19] =	ssyncadd.s32 $0xFFFFE000  }
0x7e: {  	[tilespmem:s20], [sflag:$0x2] =	stream.indirect.gather [spmem:s3], $0x40, s31, s17, $0xb8;
	[tilespmem:$0x1A800] =	vst v63  }
0x7f: {  	s31 =	sadd.s32 $0x1400, s30  }
0x80: {  	[spmem:s2] =	stream.indirect.scatter.add.f32 [tilespmem:s18], [sflag:$0x3], $0x40, s31, s17, $0xb8;
	[tilespmem:$0x1A800] =	vst v63  }
0x81: {  	_ =	swait.ge [sflag:s21], $0x2000  }
0x82: {  	[sflag:s21] =	ssyncset.done $0x0  }
0x83: {  	[sflag:s21] =	ssyncadd.s32 $0xFFFFE000  }
0x84: {  	_ =	swait.ge [sflag:s22], $0x2000  }
0x85: {  	[sflag:s22] =	ssyncset.done $0x0  }
0x86: {  	s31 =	sadd.s32 $0x100, s30;
	[sflag:s22] =	ssyncadd.s32 $0xFFFFE000  }
0x87: {  	[tilespmem:s18], [sflag:$0x1] =	stream.indirect.gather [spmem:s3], $0x40, s31, s17, $0xb8;
	[tilespmem:$0x1A800] =	vst v63  }
.Ltmp1:
0x88: {  	_ = 	snop;
	(pc) =	sbr.rel @p0 .LBB2_4-.Ltmp1, $4  }
0x89: {  	s30 =	sadd.s32 $0x1480, s30  }
0x8a: {  	[spmem:s2] =	stream.indirect.scatter.add.f32 [tilespmem:s20], [sflag:$0x4], $0x40, s30, s17, $0xb8;
	[tilespmem:$0x1A800] =	vst v63  }
0x8b: {  	_ =	swait.ge [sflag:s23], $0x2000  }
0x8c: {  	[sflag:s23] =	ssyncset.done $0x0  }
0x8d: {  	[sflag:s23] =	ssyncadd.s32 $0xFFFFE000  }
0x8e: {  	_ =	swait.ge [sflag:s19], $0x2000  }
0x8f: {  	[sflag:s19] =	ssyncset.done $0x0  }
0x90: {  	[sflag:s19] =	ssyncadd.s32 $0xFFFFE000  }
0x91: {  	[tilespmem:s20], [sflag:$0x2] =	stream.indirect.gather [spmem:s3], $0x40, s24, s17, $0xb8;
	[tilespmem:$0x1A800] =	vst v63  }
0x92: {  	_ = 	snop  }
0x93: {  	[spmem:s2] =	stream.indirect.scatter.add.f32 [tilespmem:s18], [sflag:$0x3], $0x40, s25, s17, $0xb8;
	[tilespmem:$0x1A800] =	vst v63  }
0x94: {  	_ =	swait.ge [sflag:s21], $0x2000  }
0x95: {  	[sflag:s21] =	ssyncset.done $0x0  }
0x96: {  	[sflag:s21] =	ssyncadd.s32 $0xFFFFE000  }
0x97: {  	_ =	swait.ge [sflag:s22], $0x2000  }
0x98: {  	[sflag:s22] =	ssyncset.done $0x0  }
0x99: {  	[sflag:s22] =	ssyncadd.s32 $0xFFFFE000  }
0x9a: {  	[spmem:s2] =	stream.indirect.scatter.add.f32 [tilespmem:s20], [sflag:$0x5], $0x40, s26, s17, $0xb8;
	[tilespmem:$0x1A800] =	vst v63  }
0x9b: {  	_ =	swait.ge [sflag:s14], $0x2000  }
0x9c: {  	s28 =	sadd.s32 $0x1, s28;
	[sflag:s14] =	ssyncset.done $0x0  }
0x9d: {  	p0 =	sne.s32 s28, s7;
	[sflag:s14] =	ssyncadd.s32 $0xFFFFE000  }
.Ltmp2:
0x9e: {  	[bflag:$0x0] =	sbarrier.arrive $0xFFFF;
	(pc) =	sbr.rel @p0 .LBB2_1-.Ltmp2, $4  }
0x9f: {  	[hbm:s12], [sflag:s6] =	dma.local [spmem:s13], $0x1400  }
0xa0: {  	_ =	swait.ge [sflag:s14], $0x1400  }
0xa1: {  	[sflag:s14] =	ssyncset.done $0x0  }
0xa2: {  	[sflag:s14] =	ssyncadd.s32 $0xFFFFEC00  }
0xa3: {  	_ =	sfence.sel $0x180000  }
0xa4: {  	[bflag:$0x0] =	sbarrier.arrive $0xFFFF  }
0xa5: {  	p0 =	sne.s32 s0, $0x0;
	_ =	strace $0x9000004D  }
0xa6: {  	s0 =	sadd.s32 @!p0 $0x100000, s1;
	[bflag:$0x2] =	sbarrier.arrive $0xFFFF  }
0xa7: {  	[sflag:s0] =	ssyncadd.tile.s32 @!p0 $0x1;
	_ =	shalt  }
.Lfunc_end2:
_tile_overlayer_lowered:
.L_overlay_start_2:
0xa8: {  	(tag) =	ssettag $0x2  }
0xa9: {  	s0 =	rddreg [dreg:$0x0];
	s2 =	stileid.u32  }
0xaa: {  	s1 =	rddreg [dreg:$0x1];
	p0 =	sne.s32 s2, $0x0  }
0xab: {  	s3 =	rddreg [dreg:$0x2];
	[bflag:$0x3] =	sbarrier.arrive $0xFFFF;
	s2 =	simm.s32 @!p0 $0x1C05  }
0xac: {  	[timem:s3], [sflag:s2] =	dma.local @!p0 [hbm:s0], s1  }
0xad: {  	s0 =	simm.s32 @!p0 $0x5  }
0xae: {  	_ =	swait.ge @!p0 [sflag:s0], s1  }
0xaf: {  	s1 =	ssub.s32 @!p0 $0x0, s1;
	[sflag:s0] =	ssyncset.done @!p0 $0x0  }
0xb0: {  	[sflag:s0] =	ssyncadd.s32 @!p0 s1  }
0xb1: {  	[bflag:$0x3] =	sbarrier.arrive $0xFFFF  }
0xb2: {  	_ =	shalt  }

// kernel: kernel.8.cloned.1.call-start
scs
__scs_entry_jumppad:
0x0: {  	(pc) =	sbr.rel $0x88, $3  }
0x1: {  	(tag) =	ssettag $0x0;
	lr =	simm.s32 $0x1  }
0x2: {  	[smem:$0x3F9B] =	sst lr;
	_ =	strace $0xD0000000  }
0x3: {  	_ = 	snop  }
0x4: {  	_ = 	snop  }
0x5: {  	_ = 	snop  }
0x6: {  	_ = 	snop  }
0x7: {  	_ = 	snop  }
__scs_overlays_trampoline_lowered:
0x8: {  	[smem:$0x3FAA] =	sst s0  }
0x9: {  	[smem:$0x3FAB] =	sst s1  }
0xa: {  	[smem:$0x3FAC] =	sst s2  }
0xb: {  	[smem:$0x3FAD] =	sst s3  }
0xc: {  	[smem:$0x3FAE] =	sst s4  }
0xd: {  	[smem:$0x3FAF] =	sst s5  }
0xe: {  	[smem:$0x3FB0] =	sst s6  }
0xf: {  	[smem:$0x3FB1] =	sst s7  }
0x10: {  	[smem:$0x3FB2] =	sst s8  }
0x11: {  	[smem:$0x3FB3] =	sst s9;
	s0 =	simm.s32 @!p0 $0x0  }
0x12: {  	s1 =	sld [smem:$0x3F99];
	s0 =	simm.s32 @p0 $0x1  }
0x13: {  	[smem:$0x3FB4] =	sst s0;
	s0 =	simm.s32 @!p1 $0x0  }
0x14: {  	s2 =	sld [smem:$0x3F98];
	s0 =	simm.s32 @p1 $0x1  }
0x15: {  	[smem:$0x3FB5] =	sst s0;
	s0 =	simm.s32 @!p2 $0x0  }
0x16: {  	s3 =	sld [smem:$0x3FDB];
	s0 =	simm.s32 @p2 $0x1  }
0x17: {  	s4 =	simm.s32 $0x1BF5;
	[smem:$0x3FB7] =	sst s0  }
0x18: {  	s0 =	sld [smem:$0x3F9A];
	_ =	swait.ge [sflag:s4], $0x0  }
0x19: {  	s7 =	sld [smem:$0x3F9B]  }
0x1a: {  	s8 =	sadd.s32 $0xFFFFE003, lr  }
0x1b: {  	s9 =	sadd.s32 $0xFFFFFEF7, lr;
	s5 =	simm.s32 $0xFFFFFFFF;
	p2 =	slt.u32 s8, $0xFFFFF086  }
0x1c: {  	p1 =	slt.u32 s9, $0xF7A;
	s5 =	simm.s32 @!p2 $0x0  }
0x1d: {  	s5 =	simm.s32 @p1 $0x1;
	p0 =	seq.s32 s7, s2  }
0x1e: {  	s7 =	smul.u32 @!p0 $0xF7A, s2;
	p2 =	seq.s32 @!p0 s5, $0x0  }
0x1f: {  	s9 =	smul.u32 $0xF7A, s1;
	s8 =	simm.s32 @!p0 $0x1BF5;
	p2 =	por !p2, p0  }
0x20: {  	[sflag:s8] =	ssyncset.s32 @!p0 $0xFFFFF086;
	s6 =	sadd.s32 @!p0 s3, s7;
	s7 =	simm.s32 @!p0 $0x108  }
0x21: {  	s3 =	sadd.s32 s3, s9;
	s6 =	sadd.s32 @!p0 $0x88, s6;
	s7 =	simm.s32 @p2 $0x1082  }
0x22: {  	[simem:s7], [sflag:s8] =	dma.local @!p0 [hbm:s6], $0xF7A  }
0x23: {  	s9 =	sor.u32 $0xD0000000, s2;
	s6 =	simm.s32 $0x108;
	_ =	swait.ge @!p0 [sflag:s8], $0x0  }
0x24: {  	s3 =	sadd.s32 $0x88, s3;
	s6 =	simm.s32 @!p1 $0x1082;
	[sflag:s4] =	ssyncset.s32 $0xFFFFF086  }
0x25: {  	[simem:s6], [sflag:s4] =	dma.local [hbm:s3], $0xF7A  }
0x26: {  	[smem:$0x3F9B] =	sst s1;
	(tag) =	ssettag s2;
	_ =	strace s9  }
0x27: {  	s1 =	sld [smem:$0x3FAB]  }
0x28: {  	s2 =	sld [smem:$0x3FAC]  }
0x29: {  	s4 =	sld [smem:$0x3FAE]  }
0x2a: {  	p0 =	seq.s32 s5, $0x0;
	s5 =	sld [smem:$0x3FAF]  }
0x2b: {  	s6 =	sld [smem:$0x3FB0]  }
0x2c: {  	s7 =	sld [smem:$0x3FB1]  }
0x2d: {  	s3 =	simm.s32 $0x108;
	s8 =	sld [smem:$0x3FB2]  }
0x2e: {  	s3 =	simm.s32 @!p0 $0x1082;
	s9 =	sld [smem:$0x3FB3]  }
0x2f: {  	lr =	sadd.s32 s0, s3;
	s0 =	sld [smem:$0x3FAA]  }
0x30: {  	s3 =	sld [smem:$0x3FAD]  }
0x31: {  	[smem:$0x3FB6] =	sst s10  }
0x32: {  	s10 =	sld [smem:$0x3FB4];
	_ =	sdelay $0x3  }
0x33: {  	p0 =	seq.s32 s10, $0x1;
	s10 =	sld [smem:$0x3FB6];
	_ =	sdelay $0x3  }
0x34: {  	[smem:$0x3FB6] =	sst s10  }
0x35: {  	s10 =	sld [smem:$0x3FB5];
	_ =	sdelay $0x3  }
0x36: {  	p1 =	seq.s32 s10, $0x1;
	s10 =	sld [smem:$0x3FB6];
	_ =	sdelay $0x3  }
0x37: {  	[smem:$0x3FB6] =	sst s10  }
0x38: {  	s10 =	sld [smem:$0x3FB7]  }
0x39: {  	_ = 	snop;
	(pc) =	sbr.ind lr, $3  }
0x3a: {  	_ = 	snop  }
0x3b: {  	_ = 	snop  }
0x3c: {  	p2 =	seq.s32 s10, $0x1;
	s10 =	sld [smem:$0x3FB6]  }
0x3d: {  	_ =	shalt  }
0x3e: {  	_ =	shalt  }
0x3f: {  	_ =	shalt  }
0x40: {  	_ =	shalt  }
0x41: {  	_ =	shalt  }
0x42: {  	_ =	shalt  }
0x43: {  	_ =	shalt  }
0x44: {  	_ =	shalt  }
0x45: {  	_ =	shalt  }
0x46: {  	_ =	shalt  }
0x47: {  	_ =	shalt  }
0x48: {  	_ =	shalt  }
0x49: {  	_ =	shalt  }
0x4a: {  	_ =	shalt  }
0x4b: {  	_ =	shalt  }
0x4c: {  	_ =	shalt  }
0x4d: {  	_ =	shalt  }
0x4e: {  	_ =	shalt  }
0x4f: {  	_ =	shalt  }
0x50: {  	_ =	shalt  }
0x51: {  	_ =	shalt  }
0x52: {  	_ =	shalt  }
0x53: {  	_ =	shalt  }
0x54: {  	_ =	shalt  }
0x55: {  	_ =	shalt  }
0x56: {  	_ =	shalt  }
0x57: {  	_ =	shalt  }
0x58: {  	_ =	shalt  }
0x59: {  	_ =	shalt  }
0x5a: {  	_ =	shalt  }
0x5b: {  	_ =	shalt  }
0x5c: {  	_ =	shalt  }
0x5d: {  	_ =	shalt  }
0x5e: {  	_ =	shalt  }
0x5f: {  	_ =	shalt  }
0x60: {  	_ =	shalt  }
0x61: {  	_ =	shalt  }
0x62: {  	_ =	shalt  }
0x63: {  	_ =	shalt  }
0x64: {  	_ =	shalt  }
0x65: {  	_ =	shalt  }
0x66: {  	_ =	shalt  }
0x67: {  	_ =	shalt  }
0x68: {  	_ =	shalt  }
0x69: {  	_ =	shalt  }
0x6a: {  	_ =	shalt  }
0x6b: {  	_ =	shalt  }
0x6c: {  	_ =	shalt  }
0x6d: {  	_ =	shalt  }
0x6e: {  	_ =	shalt  }
0x6f: {  	_ =	shalt  }
0x70: {  	_ =	shalt  }
0x71: {  	_ =	shalt  }
0x72: {  	_ =	shalt  }
0x73: {  	_ =	shalt  }
0x74: {  	_ =	shalt  }
0x75: {  	_ =	shalt  }
0x76: {  	_ =	shalt  }
0x77: {  	_ =	shalt  }
0x78: {  	_ =	shalt  }
0x79: {  	_ =	shalt  }
0x7a: {  	_ =	shalt  }
0x7b: {  	_ =	shalt  }
0x7c: {  	_ =	shalt  }
0x7d: {  	_ =	shalt  }
0x7e: {  	_ =	shalt  }
0x7f: {  	_ =	shalt  }
0x80: {  	_ =	shalt  }
0x81: {  	_ =	shalt  }
0x82: {  	_ =	shalt  }
0x83: {  	_ =	shalt  }
0x84: {  	_ =	shalt  }
0x85: {  	_ =	shalt  }
0x86: {  	_ =	shalt  }
0x87: {  	_ =	shalt  }
.Lfunc_end0:
.L_simem_size_0:
called_computation_lowered:
.L_overlay_start_0:
0x88: {  	s2 =	sld [smem:$0x3FD9]  }
0x89: {  	s3 =	sld [smem:$0x3FFE];
	_ =	sdelay $0x1  }
0x8a: {  	s1 =	srdreg.scid  }
0x8b: {  	s0 =	sand.u32 $0x1, s1  }
0x8c: {  	s16 =	sshll.u32 s0, $0xA;
	s2 =	sadd.s32 s3, s2  }
0x8d: {  	s2 =	sadd.s32 s2, s16  }
0x8e: {  	[smem:$0x3FC2] =	sst s2  }
0x8f: {  	_ = 	snop  }
0x90: {  	(tm) =	ssettm $0x1  }
0x91: {  	s17 =	sld [smem:$0x3FFB];
	_ =	sdelay $0x3  }
0x92: {  	_ =	strace s17  }
0x93: {  	s2 =	sld [smem:$0x3FFC];
	_ =	sdelay $0x3  }
0x94: {  	_ =	strace s2  }
0x95: {  	s2 =	sld [smem:$0x3FFD];
	_ =	sdelay $0x3  }
0x96: {  	_ =	strace s2  }
0x97: {  	_ =	strace $0x8FFFFFFF  }
0x98: {  	s18 =	sld [smem:$0x3FDB];
	_ =	sdelay $0x1  }
0x99: {  	s19 =	simm.s32 $_scs_section_size  }
0x9a: {  	s4 =	simm.s32 $_size__tile_overlayer_lowered;
	s5 =	simm.s32 $_tile_overlayer_lowered  }
0x9b: {  	s22 =	simm.s32 $0x1BFF;
	s21 =	sshll.u32 s5, $0x1;
	s2 =	sadd.s32 s19, s18  }
0x9c: {  	s6 =	simm.s32 $0x0;
	s20 =	sshll.u32 s4, $0x1;
	s4 =	sadd.s32 s21, s2  }
0x9d: {  	[timem:s6], [sflag:s22] =	dma.local [hbm:s4], s20  }
0x9e: {  	_ =	swait.ge [sflag:s22], s20  }
0x9f: {  	s3 =	ssub.s32 $0x0, s20;
	[sflag:s22] =	ssyncset.done $0x0  }
0xa0: {  	[sflag:s22] =	ssyncadd.s32 s3;
	_ =	sdelay $0x1  }
0xa1: {  	s23 =	simm.s32 $0x1B8B  }
0xa2: {  	_ =	swait.ge [sflag:s23], $0x1  }
0xa3: {  	[sflag:s23] =	ssyncset.done $0x0  }
0xa4: {  	s25 =	simm.s32 $0x1B8E;
	s24 =	sld [smem:$0x3FFE];
	[sflag:s23] =	ssyncadd.s32 $0xFFFFFFFF  }
0xa5: {  	s26 =	simm.s32 $execute0_lowered;
	[smem:$0x3FD2] =	sst s25  }
0xa6: {  	s4 =	sshll.u32 s26, $0x1;
	_ =	strace $0x80000046;
	[dreg:$0x1] =	wrdreg $0xFFFFFFFF  }
0xa7: {  	s28 =	simm.s32 $_size_execute0_lowered;
	s2 =	sadd.s32 s2, s4;
	[dreg:$0x0] =	wrdreg $0x0  }
0xa8: {  	s4 =	sshll.u32 s28, $0x1;
	[dreg:$0x2] =	wrdreg s2  }
0xa9: {  	[dreg:$0x3] =	wrdreg s4  }
0xaa: {  	[dreg:$0x4] =	wrdreg $0xC0  }
0xab: {  	_ =	task [dreg:s6], $0x5FFFF  }
0xac: {  	[dreg:$0x1] =	wrdreg $0xFFFFFFFF  }
0xad: {  	[dreg:$0x0] =	wrdreg $0x60  }
0xae: {  	[dreg:$0x2] =	wrdreg s24  }
0xaf: {  	[dreg:$0x3] =	wrdreg $0x2B000  }
0xb0: {  	[dreg:$0x4] =	wrdreg $0x9  }
0xb1: {  	_ =	task.clear_ibuf [dreg:s6], $0x5FFFF;
	_ =	strace $0x90000046  }
0xb2: {  	s29 =	simm.s32 $0x9;
	_ =	strace $0x80000048  }
0xb3: {  	_ =	swait.ge [sflag:s29], $0x1  }
0xb4: {  	[sflag:s29] =	ssyncadd.s32 $0xFFFFFFFF  }
0xb5: {  	_ =	strace $0x90000048  }
0xb6: {  	_ =	sfence  }
0xb7: {  	s30 =	sld [smem:$0x0];
	_ =	sdelay $0x2  }
0xb8: {  	s31 =	sshll.u32 s1, $0xD;
	s1 =	sshrl.u32 s1, $0x2  }
0xb9: {  	s3 =	sand.u32 $0x4000, s31;
	s1 =	sadd.s32 s1, s30  }
0xba: {  	s0 =	sor.u32 s3, s0;
	s1 =	sshll.u32 s1, $0x11  }
0xbb: {  	s0 =	sor.u32 s1, s0  }
0xbc: {  	s0 =	sadd.s32 $0x8F2B, s0  }
0xbd: {  	[sflag:s0] =	ssyncadd.remote.s32 $0x1  }
0xbe: {  	_ =	sfence.sel $0xFFFF  }
0xbf: {  	[dreg:$0x0] =	wrdreg $0xFFFFFFFF;
	(pc) =	sbr.abs _section_cstart, $3  }
0xc0: {  	[dreg:$0x1] =	wrdreg $0xFFFFFFFF  }
0xc1: {  	_ =	task.clear_ibuf [dreg:s6], $0x2FFFF;
	_ =	strace $0x9FFFFFFF  }
0xc2: {  	(tm) =	ssettm $0x7FFFFFFF  }
0xc3: {  	_ =	shalt  }
tec
execute0_lowered:
.L_overlay_start_1:
0x0: {  	(tag) =	ssettag $0x1  }
0x1: {  	s7 =	rddreg [dreg:$0x0];
	s1 =	srdreg.scid  }
0x2: {  	s0 =	stileid.u32;
	s2 =	rddreg [dreg:$0x1]  }
0x3: {  	s3 =	simm.s32 $0x0;
	s10 =	simm.s32 $0x80;
	s11 =	simm.s32 $0x2800  }
0x4: {  	s14 =	simm.s32 $0x0;
	s4 =	sand.u32 $0x1, s1;
	s1 =	rddreg [dreg:$0x2]  }
0x5: {  	s5 =	sshll.u32 s0, $0x1;
	[smem:$0x7FF] =	sst s3;
	s9 =	smul.u32 $0x280, s0  }
0x6: {  	s12 =	sshll.u32 s0, $0x6;
	s5 =	sor.u32 s4, s5;
	s6 =	ssub.s32 $0x2, s4  }
0x7: {  	_ =	strace $0x80000047;
	s5 =	smul.u32 $0x500, s5;
	s8 =	sshrl.u32 s6, $0x1  }
0x8: {  	p0 =	seq.s32 s4, $0x1;
	s6 =	ssub.s32 s6, s8;
	s8 =	simm.s32 $0xD400  }
0x9: {  	s12 =	sor.u32 $0x1C01, s12;
	s5 =	sadd.s32 s5, s7;
	s8 =	simm.s32 @!p0 $0xDA00  }
0xa: {  	s6 =	smax.u32 s6, $0x1;
	s4 =	sadd.s32 $0x3400, s5;
	s5 =	sadd.s32 s9, s2  }
0xb: {  	s9 =	sshrl.u32 s9, $0x3;
	s7 =	sadd.s32 s8, s7;
	s8 =	simm.s32 $0x1  }
0xc: {  	v0 =	vimm.f32 $1.000000000e+00;
	v1 =	vimm.f32 $0.0e+00;
	s7 =	sadd.s32 s7, s9;
	s9 =	simm.s32 $0x2880;
	s13 =	sshrl.u32 s5, $0x3  }
.LBB2_1:
0xd: {  	[tilespmem:s3], [sflag:$0x1] =	stream.linear.gather [hbm4b:s4+s3], $0x2800, $0x38;
	[tilespmem:$0x2D80] =	vst v63  }
0xe: {  	_ =	swait.ge [sflag:s8], $0x2800  }
0xf: {  	[sflag:s8] =	ssyncset.done $0x0  }
0x10: {  	[sflag:s8] =	ssyncadd.s32 $0xFFFFD800  }
0x11: {  	[tilespmem:$0x2800] =	vst v0  }
0x12: {  	[tilespmem:$0x2810] =	vst v0  }
0x13: {  	[tilespmem:$0x2820] =	vst v0  }
0x14: {  	[tilespmem:$0x2830] =	vst v0  }
0x15: {  	[tilespmem:$0x2840] =	vst v0  }
0x16: {  	[tilespmem:$0x2850] =	vst v0  }
0x17: {  	[tilespmem:$0x2860] =	vst v0  }
0x18: {  	[tilespmem:$0x2870] =	vst v0  }
0x19: {  	[tilespmem:$0x2880] =	vst v1  }
0x1a: {  	[tilespmem:$0x2890] =	vst v1  }
0x1b: {  	[tilespmem:$0x28A0] =	vst v1  }
0x1c: {  	[tilespmem:$0x28B0] =	vst v1  }
0x1d: {  	[tilespmem:$0x28C0] =	vst v1  }
0x1e: {  	[tilespmem:$0x28D0] =	vst v1  }
0x1f: {  	[tilespmem:$0x28E0] =	vst v1  }
0x20: {  	[tilespmem:$0x28F0] =	vst v1  }
0x21: {  	[tilespmem:$0x2900] =	vst v1  }
0x22: {  	[tilespmem:$0x2910] =	vst v1  }
0x23: {  	[tilespmem:$0x2920] =	vst v1  }
0x24: {  	[tilespmem:$0x2930] =	vst v1  }
0x25: {  	[tilespmem:$0x2940] =	vst v1  }
0x26: {  	[tilespmem:$0x2950] =	vst v1  }
0x27: {  	[tilespmem:$0x2960] =	vst v1  }
0x28: {  	[tilespmem:$0x2970] =	vst v1  }
0x29: {  	[tilespmem:$0x2980] =	vst v1  }
0x2a: {  	[tilespmem:$0x2990] =	vst v1  }
0x2b: {  	[tilespmem:$0x29A0] =	vst v1  }
0x2c: {  	[tilespmem:$0x29B0] =	vst v1  }
0x2d: {  	[tilespmem:$0x29C0] =	vst v1  }
0x2e: {  	[tilespmem:$0x29D0] =	vst v1  }
0x2f: {  	[tilespmem:$0x29E0] =	vst v1  }
0x30: {  	[tilespmem:$0x29F0] =	vst v1  }
0x31: {  	[tilespmem:$0x2A00] =	vst v1  }
0x32: {  	[tilespmem:$0x2A10] =	vst v1  }
0x33: {  	[tilespmem:$0x2A20] =	vst v1  }
0x34: {  	[tilespmem:$0x2A30] =	vst v1  }
0x35: {  	[tilespmem:$0x2A40] =	vst v1  }
0x36: {  	[tilespmem:$0x2A50] =	vst v1  }
0x37: {  	[tilespmem:$0x2A60] =	vst v1  }
0x38: {  	[tilespmem:$0x2A70] =	vst v1  }
0x39: {  	[tilespmem:$0x2A80] =	vst v1  }
0x3a: {  	[tilespmem:$0x2A90] =	vst v1  }
0x3b: {  	[tilespmem:$0x2AA0] =	vst v1  }
0x3c: {  	[tilespmem:$0x2AB0] =	vst v1  }
0x3d: {  	[tilespmem:$0x2AC0] =	vst v1  }
0x3e: {  	[tilespmem:$0x2AD0] =	vst v1  }
0x3f: {  	[tilespmem:$0x2AE0] =	vst v1  }
0x40: {  	[tilespmem:$0x2AF0] =	vst v1  }
0x41: {  	[spmem:s5] =	stream.linear.scatter [tilespmem:s9], [sflag:$0x1], $0x280, $0x38;
	[tilespmem:$0x2D80] =	vst v63  }
0x42: {  	_ =	swait.ge [sflag:s8], $0x280  }
0x43: {  	[sflag:s8] =	ssyncset.done $0x0  }
0x44: {  	[sflag:s8] =	ssyncadd.s32 $0xFFFFFD80  }
0x45: {  	s15 =	simm.s32 $0x0;
	[bflag:$0x0] =	sbarrier.arrive $0xFFFF  }
0x46: {  	[spmem:s2] =	stream.indirect.scatter.add.f32 [tilespmem:s11], [sflag:$0x1], $0x1, s15, s10, $0xb8;
	[tilespmem:$0x2D80] =	vst v63  }
0x47: {  	_ =	swait.ge [sflag:s8], $0x80  }
0x48: {  	s15 =	simm.s32 $0x200;
	[sflag:s8] =	ssyncset.done $0x0  }
.LBB2_2:
0x49: {  	s16 =	sshra.s32 s15, $0x2;
	[sflag:s8] =	ssyncadd.s32 $0xFFFFFF80;
	p0 =	sne.s32 s15, $0x9E00  }
0x4a: {  	[spmem:s2] =	stream.indirect.scatter.add.f32 [tilespmem:s11], [sflag:$0x1], $0x1, s16, s10, $0xb8;
	[tilespmem:$0x2D80] =	vst v63  }
.Ltmp0:
0x4b: {  	_ = 	snop;
	(pc) =	sbr.rel @p0 .LBB2_2-.Ltmp0, $4  }
0x4c: {  	_ = 	snop  }
0x4d: {  	s15 =	sadd.s32 $0x200, s15  }
0x4e: {  	_ =	swait.ge [sflag:s8], $0x80  }
0x4f: {  	[sflag:s8] =	ssyncset.done $0x0  }
0x50: {  	s14 =	sadd.s32 $0x1, s14  }
0x51: {  	[sflag:s8] =	ssyncadd.s32 $0xFFFFFF80;
	p0 =	sne.s32 s14, s6  }
.Ltmp1:
0x52: {  	[bflag:$0x0] =	sbarrier.arrive $0xFFFF;
	(pc) =	sbr.rel @p0 .LBB2_1-.Ltmp1, $4  }
0x53: {  	[hbm:s7], [sflag:s12] =	dma.local [spmem:s13], $0x50  }
0x54: {  	_ =	swait.ge [sflag:s8], $0x50  }
0x55: {  	[sflag:s8] =	ssyncset.done $0x0  }
0x56: {  	[sflag:s8] =	ssyncadd.s32 $0xFFFFFFB0  }
0x57: {  	_ =	sfence.sel $0x180000  }
0x58: {  	[bflag:$0x0] =	sbarrier.arrive $0xFFFF  }
0x59: {  	p0 =	sne.s32 s0, $0x0;
	_ =	strace $0x90000047  }
0x5a: {  	s0 =	sadd.s32 @!p0 $0x100000, s1;
	[bflag:$0x2] =	sbarrier.arrive $0xFFFF  }
0x5b: {  	[sflag:s0] =	ssyncadd.tile.s32 @!p0 $0x1;
	_ =	shalt  }
.Lfunc_end2:
_tile_overlayer_lowered:
.L_overlay_start_2:
0x5c: {  	(tag) =	ssettag $0x2  }
0x5d: {  	s0 =	rddreg [dreg:$0x0];
	s2 =	stileid.u32  }
0x5e: {  	s1 =	rddreg [dreg:$0x1];
	p0 =	sne.s32 s2, $0x0  }
0x5f: {  	s3 =	rddreg [dreg:$0x2];
	[bflag:$0x3] =	sbarrier.arrive $0xFFFF;
	s2 =	simm.s32 @!p0 $0x1C01  }
0x60: {  	[timem:s3], [sflag:s2] =	dma.local @!p0 [hbm:s0], s1  }
0x61: {  	s0 =	simm.s32 @!p0 $0x1  }
0x62: {  	_ =	swait.ge @!p0 [sflag:s0], s1  }
0x63: {  	s1 =	ssub.s32 @!p0 $0x0, s1;
	[sflag:s0] =	ssyncset.done @!p0 $0x0  }
0x64: {  	[sflag:s0] =	ssyncadd.s32 @!p0 s1  }
0x65: {  	[bflag:$0x3] =	sbarrier.arrive $0xFFFF  }
0x66: {  	_ =	shalt  }

</sc_bundles>
